<compile_context>
chip_gen: v7x
topology: tpu7x:2x2x1
jax: 0.10.2.dev20260603
libtpu: 0.0.44.dev20260713+nightly
codegen_flags: <defaults>
</compile_context>

<pallas_src>
import functools

import jax
import jax.numpy as jnp
from jax import lax
from jax.experimental import pallas as pl
from jax.experimental.pallas import tpu as pltpu
from jax.experimental.pallas import tpu_sc as plsc

N_PROMPT = 10
B = 1024
L = 210
D = 128
NC, NS = 2, 16
NW = NC * NS
NLG = 4
NBC = NW // NLG
BW = B // NBC
NBLK = -(-(L + 1) // NLG)
LPAD = NLG * NBLK
NSLOT = 6
AHEAD = 3
PREP = 64


def _build():
    mesh = plsc.VectorSubcoreMesh(core_axis_name="c", subcore_axis_name="s")

    @functools.partial(
        pl.kernel,
        mesh=mesh,
        out_type=jax.ShapeDtypeStruct((L, B, D), jnp.float32),
        scratch_types=[
            pltpu.VMEM((NBLK, BW), jnp.int32),
            [pltpu.VMEM((BW, D), jnp.float32)] * NSLOT,
            [pltpu.SemaphoreType.DMA] * NSLOT,
            [pltpu.SemaphoreType.DMA] * NSLOT,
        ],
    )
    def emb(idx_hbm, wte_hbm, pt_hbm, out_hbm,
            idx_v, bufs, sems_g, sems_w):
        wid = lax.axis_index("s") * NC + lax.axis_index("c")
        lg = wid // NBC
        b0 = (wid % NBC) * BW

        def fire_gather(i, j):
            l = lg + NLG * i

            @pl.when(l < N_PROMPT)
            def _():
                pltpu.async_copy(pt_hbm.at[idx_v.at[i]], bufs[j], sems_g[j])

            @pl.when(l >= N_PROMPT)
            def _():
                pltpu.async_copy(wte_hbm.at[idx_v.at[i]], bufs[j], sems_g[j])

        def wait_gather(i, j):
            l = lg + NLG * i

            @pl.when(l < N_PROMPT)
            def _():
                pltpu.make_async_copy(pt_hbm.at[idx_v.at[i]], bufs[j],
                                      sems_g[j]).wait()

            @pl.when(l >= N_PROMPT)
            def _():
                pltpu.make_async_copy(wte_hbm.at[idx_v.at[i]], bufs[j],
                                      sems_g[j]).wait()

        def fire_write(i, j):
            l = lg + NLG * i

            @pl.when(l < L)
            def _():
                pltpu.async_copy(bufs[j], out_hbm.at[l, pl.ds(b0, BW)],
                                 sems_w[j])

        def wait_write(j):
            pltpu.make_async_copy(bufs[j], out_hbm.at[0, pl.ds(0, BW)],
                                  sems_w[j]).wait()

        pltpu.sync_copy(idx_hbm.at[wid], idx_v)

        for f in range(AHEAD):
            fire_gather(f, f % NSLOT)

        def step(i, j):
            f = i + AHEAD
            jf = (j + AHEAD) % NSLOT

            @pl.when(f < NBLK)
            def _():
                @pl.when(f >= NSLOT)
                def _():
                    wait_write(jf)

                fire_gather(f, jf)

            wait_gather(i, j)
            fire_write(i, j)

        def body(g, carry):
            for j in range(NSLOT):
                step(NSLOT * g + j, j)
            return carry

        lax.fori_loop(0, NBLK // NSLOT, body, 0)
        for i in range(NSLOT * (NBLK // NSLOT), NBLK):
            step(i, i % NSLOT)

        for i in range(NBLK - NSLOT, NBLK):
            @pl.when(lg + NLG * i < L)
            def _():
                wait_write(i % NSLOT)

    return emb


_EMB = _build()


def kernel(tokens, MoE_type_tensor, wte_weight,
           learned_embedding_text, learned_embedding_table):
    m10 = MoE_type_tensor.astype(jnp.int32) * N_PROMPT
    rep = 2 * N_PROMPT * (jnp.arange(B, dtype=jnp.int32) % PREP)
    mp = (m10 + rep)[None, :] + jnp.arange(N_PROMPT, dtype=jnp.int32)[:, None]
    mt = tokens[:, N_PROMPT:].astype(jnp.int32).T
    mz = jnp.zeros((LPAD - L, B), jnp.int32)
    M = jnp.concatenate([mp, mt, mz], axis=0)
    A = M.reshape(NBLK, NLG, NBC, BW).transpose(1, 2, 0, 3)
    A = A.reshape(NW, NBLK, BW)
    ptable = jnp.concatenate([learned_embedding_text.astype(jnp.float32),
                              learned_embedding_table.astype(jnp.float32)],
                             axis=0)
    ptable = jnp.tile(ptable, (PREP, 1))
    out = _EMB(A, wte_weight.astype(jnp.float32), ptable)
    return jnp.transpose(out, (1, 0, 2))

# --- scband reference (transcript-rebuilt; emitter-appended) ---
"""Pipeline reference for scband-soft-embedding-27582279975564 (READ-ONLY COPY).

The authoritative reference and input builder live on the scoring server;
editing this copy changes nothing except your own understanding.
"""

import jax, jax.numpy as jnp
import numpy as np

N_TOKENS = 10

def setup_inputs(seed: int = 0):
    key = jax.random.key(seed)
    k1, k2, k3 = jax.random.split(key, 3)
    vocab, d = 100000, 128
    B, L = 1024, 210
    wte_weight = jax.random.normal(k1, (vocab, d), dtype=jnp.float32) * 0.02
    # initialize_from_vocab=True: both learned embeddings start as first n_tokens rows of wte
    learned_embedding_text = wte_weight[:N_TOKENS]
    learned_embedding_table = wte_weight[:N_TOKENS]
    tokens = jax.random.randint(k2, (B, L), 0, vocab)
    MoE_type_tensor = (jax.random.uniform(k3, (B,)) < 0.5).astype(jnp.float32)
    return {
        "tokens": tokens,
        "MoE_type_tensor": MoE_type_tensor,
        "wte_weight": wte_weight,
        "learned_embedding_text": learned_embedding_text,
        "learned_embedding_table": learned_embedding_table,
    }

def reference(tokens, MoE_type_tensor, wte_weight, learned_embedding_text, learned_embedding_table):
    B = tokens.shape[0]
    # self.wte(tokens[:, self.n_tokens:])
    input_embedding = jnp.take(wte_weight, tokens[:, N_TOKENS:], axis=0)
    # .repeat(B, 1, 1)
    lt = jnp.broadcast_to(learned_embedding_text[None, :, :], (B,) + learned_embedding_text.shape)
    lb = jnp.broadcast_to(learned_embedding_table[None, :, :], (B,) + learned_embedding_table.shape)
    one_index = MoE_type_tensor.reshape((B, 1, 1))
    learned_final = lt * (1.0 - one_index) + lb * one_index
    return jnp.concatenate([learned_final, input_embedding], axis=1)

if __name__ == "__main__":
    import jax
    _d = setup_inputs()
    print(jax.jit(kernel)(*tuple(_d.values())))

</pallas_src>

<mosaic_0001>
#map = affine_map<(d0, d1) -> (0, 0, 0)>
#map1 = affine_map<(d0, d1) -> (0, 0)>
module attributes {stable_mosaic.version = 14 : i64} {
  func.func @emb(%arg0: i32, %arg1: i32, %arg2: memref<32x53x128xi32, #tpu.memory_space<hbm>>, %arg3: memref<100000x128xf32, #tpu.memory_space<hbm>>, %arg4: memref<1280x128xf32, #tpu.memory_space<hbm>>, %arg5: memref<210x1024x128xf32, #tpu.memory_space<hbm>>, %arg6: memref<53x128xi32, #tpu.memory_space<vmem>>, %arg7: memref<128x128xf32, #tpu.memory_space<vmem>>, %arg8: memref<128x128xf32, #tpu.memory_space<vmem>>, %arg9: memref<128x128xf32, #tpu.memory_space<vmem>>, %arg10: memref<128x128xf32, #tpu.memory_space<vmem>>, %arg11: memref<128x128xf32, #tpu.memory_space<vmem>>, %arg12: memref<128x128xf32, #tpu.memory_space<vmem>>, %arg13: memref<!tpu.dma_semaphore, #tpu.memory_space<semaphore_mem>>, %arg14: memref<!tpu.dma_semaphore, #tpu.memory_space<semaphore_mem>>, %arg15: memref<!tpu.dma_semaphore, #tpu.memory_space<semaphore_mem>>, %arg16: memref<!tpu.dma_semaphore, #tpu.memory_space<semaphore_mem>>, %arg17: memref<!tpu.dma_semaphore, #tpu.memory_space<semaphore_mem>>, %arg18: memref<!tpu.dma_semaphore, #tpu.memory_space<semaphore_mem>>, %arg19: memref<!tpu.dma_semaphore, #tpu.memory_space<semaphore_mem>>, %arg20: memref<!tpu.dma_semaphore, #tpu.memory_space<semaphore_mem>>, %arg21: memref<!tpu.dma_semaphore, #tpu.memory_space<semaphore_mem>>, %arg22: memref<!tpu.dma_semaphore, #tpu.memory_space<semaphore_mem>>, %arg23: memref<!tpu.dma_semaphore, #tpu.memory_space<semaphore_mem>>, %arg24: memref<!tpu.dma_semaphore, #tpu.memory_space<semaphore_mem>>) attributes {dimension_semantics = [#tpu.dimension_semantics<core_parallel>, #tpu.dimension_semantics<subcore_parallel>], iteration_bounds = array<i64: 2, 16>, scalar_prefetch = 0 : i64, scratch_operands = 19 : i64, tpu.core_type = #tpu.core_type<sc_vector_subcore>, window_params = [{transform_indices = #map}, {transform_indices = #map1}, {transform_indices = #map1}, {transform_indices = #map}]} {
    %mul3A = arith.constant 2 : i32
    %mul3A_0 = arith.muli %arg1, %mul3A : i32
    %add3A = arith.addi %mul3A_0, %arg0 : i32
    %jit3A = arith.constant 8 : i32
    %div3A = arith.divsi %add3A, %jit3A : i32
    %sign3A = arith.constant 0 : i32
    %sign3A_1 = arith.cmpi sgt, %add3A, %sign3A : i32
    %sign3A_2 = arith.extui %sign3A_1 : i1 to i32
    %sign3A_3 = arith.constant 0 : i32
    %sign3A_4 = arith.cmpi slt, %add3A, %sign3A_3 : i32
    %sign3A_5 = arith.extui %sign3A_4 : i1 to i32
    %sign3A_6 = arith.subi %sign3A_2, %sign3A_5 : i32
    %sign3A_7 = arith.constant 0 : i32
    %sign3A_8 = arith.cmpi sgt, %jit3A, %sign3A_7 : i32
    %sign3A_9 = arith.extui %sign3A_8 : i1 to i32
    %sign3A_10 = arith.constant 0 : i32
    %sign3A_11 = arith.cmpi slt, %jit3A, %sign3A_10 : i32
    %sign3A_12 = arith.extui %sign3A_11 : i1 to i32
    %sign3A_13 = arith.subi %sign3A_9, %sign3A_12 : i32
    %ne3A = arith.cmpi ne, %sign3A_6, %sign3A_13 : i32
    %rem3A = arith.remsi %add3A, %jit3A : i32
    %ne3A_14 = arith.constant 0 : i32
    %ne3A_15 = arith.cmpi ne, %rem3A, %ne3A_14 : i32
    %and3A = arith.andi %ne3A, %ne3A_15 : i1
    %sub3A = arith.constant 1 : i32
    %sub3A_16 = arith.subi %div3A, %sub3A : i32
    %select_n3A = arith.select %and3A, %sub3A_16, %div3A : i32
    %jit3A_17 = arith.constant 8 : i32
    %eq3A = arith.constant 0 : i32
    %eq3A_18 = arith.cmpi eq, %jit3A_17, %eq3A : i32
    %jit3A_19 = arith.constant 1 : i32
    %select_n3A_20 = arith.select %eq3A_18, %jit3A_19, %jit3A_17 : i32
    %rem3A_21 = arith.remsi %add3A, %select_n3A_20 : i32
    %ne3A_22 = arith.constant 0 : i32
    %ne3A_23 = arith.cmpi ne, %rem3A_21, %ne3A_22 : i32
    %lt3A = arith.constant 0 : i32
    %lt3A_24 = arith.cmpi slt, %rem3A_21, %lt3A : i32
    %lt3A_25 = arith.constant 0 : i32
    %lt3A_26 = arith.cmpi slt, %select_n3A_20, %lt3A_25 : i32
    %ne3A_27 = arith.xori %lt3A_24, %lt3A_26 : i1
    %and3A_28 = arith.andi %ne3A_27, %ne3A_23 : i1
    %add3A_29 = arith.addi %rem3A_21, %select_n3A_20 : i32
    %select_n3A_30 = arith.select %and3A_28, %add3A_29, %rem3A_21 : i32
    %mul3A_31 = arith.constant 128 : i32
    %mul3A_32 = arith.muli %select_n3A_30, %mul3A_31 : i32
    "tpu.region"() ({
      %run_scoped3A = tpu.sem_alloc : memref<!tpu.dma_semaphore, #tpu.memory_space<semaphore_mem>>
      %dma_start3A = arith.constant 0 : i32
      %dma_start3A_249 = arith.constant 0 : i32
      %dma_start3A_250 = tpu.memref_slice %arg2[%add3A, %dma_start3A, %dma_start3A_249] : memref<32x53x128xi32, #tpu.memory_space<hbm>> -> memref<1x53x128xi32, #tpu.memory_space<hbm>>
      %dma_start3A_251 = tpu.memref_squeeze %dma_start3A_250 : memref<1x53x128xi32, #tpu.memory_space<hbm>> -> memref<53x128xi32, #tpu.memory_space<hbm>>
      %dma_start3A_252 = arith.constant 0 : i32
      %dma_start3A_253 = arith.constant 0 : i32
      %dma_start3A_254 = tpu.memref_slice %arg2[%add3A, %dma_start3A_252, %dma_start3A_253] : memref<32x53x128xi32, #tpu.memory_space<hbm>> -> memref<1x53x128xi32, #tpu.memory_space<hbm>>
      %dma_start3A_255 = tpu.memref_squeeze %dma_start3A_254 : memref<1x53x128xi32, #tpu.memory_space<hbm>> -> memref<53x128xi32, #tpu.memory_space<hbm>>
      tpu.enqueue_dma source(%dma_start3A_255 : memref<53x128xi32, #tpu.memory_space<hbm>>) target(%arg6 : memref<53x128xi32, #tpu.memory_space<vmem>>) target_semaphore(%run_scoped3A : memref<!tpu.dma_semaphore, #tpu.memory_space<semaphore_mem>>)
      %dma_wait3A_256 = arith.constant 0 : i32
      %dma_wait3A_257 = arith.constant 0 : i32
      %dma_wait3A_258 = tpu.memref_slice %arg2[%add3A, %dma_wait3A_256, %dma_wait3A_257] : memref<32x53x128xi32, #tpu.memory_space<hbm>> -> memref<1x53x128xi32, #tpu.memory_space<hbm>>
      %dma_wait3A_259 = tpu.memref_squeeze %dma_wait3A_258 : memref<1x53x128xi32, #tpu.memory_space<hbm>> -> memref<53x128xi32, #tpu.memory_space<hbm>>
      %dma_wait3A_260 = arith.constant 0 : i32
      %dma_wait3A_261 = arith.constant 0 : i32
      %dma_wait3A_262 = tpu.memref_slice %arg2[%add3A, %dma_wait3A_260, %dma_wait3A_261] : memref<32x53x128xi32, #tpu.memory_space<hbm>> -> memref<1x53x128xi32, #tpu.memory_space<hbm>>
      %dma_wait3A_263 = tpu.memref_squeeze %dma_wait3A_262 : memref<1x53x128xi32, #tpu.memory_space<hbm>> -> memref<53x128xi32, #tpu.memory_space<hbm>>
      tpu.wait_dma2 semaphore(%run_scoped3A : memref<!tpu.dma_semaphore, #tpu.memory_space<semaphore_mem>>) src(%dma_wait3A_263 : memref<53x128xi32, #tpu.memory_space<hbm>>) dst(%arg6 : memref<53x128xi32, #tpu.memory_space<vmem>>)
      tpu.yield
    }) : () -> ()
    %add3A_33 = arith.constant 0 : i32
    %add3A_34 = arith.addi %select_n3A, %add3A_33 : i32
    %lt3A_35 = arith.constant 10 : i32
    %lt3A_36 = arith.cmpi slt, %add3A_34, %lt3A_35 : i32
    %convert_element_type3A = arith.extui %lt3A_36 : i1 to i32
    %cond3A = arith.constant 0 : i32
    %cond3A_37 = arith.cmpi ne, %convert_element_type3A, %cond3A : i32
    scf.if %cond3A_37 {
      %dma_start3A = arith.constant 0 : i32
      %dma_start3A_249 = arith.constant 0 : i32
      %dma_start3A_250 = tpu.memref_slice %arg6[%dma_start3A, %dma_start3A_249] : memref<53x128xi32, #tpu.memory_space<vmem>> -> memref<1x128xi32, #tpu.memory_space<vmem>>
      %dma_start3A_251 = tpu.memref_squeeze %dma_start3A_250 : memref<1x128xi32, #tpu.memory_space<vmem>> -> memref<128xi32, #tpu.memory_space<vmem>>
      %dma_start3A_252 = arith.constant 0 : i32
      %dma_start3A_253 = arith.constant 0 : i32
      %dma_start3A_254 = tpu.memref_slice %arg4[%dma_start3A_252, %dma_start3A_253] : memref<1280x128xf32, #tpu.memory_space<hbm>> -> memref<1280x128xf32, #tpu.memory_space<hbm>>
      tpu.enqueue_indirect_dma source(%dma_start3A_254 : memref<1280x128xf32, #tpu.memory_space<hbm>>) target(%arg7 : memref<128x128xf32, #tpu.memory_space<vmem>>) offsets(%dma_start3A_251 : memref<128xi32, #tpu.memory_space<vmem>>) semaphore(%arg13 : memref<!tpu.dma_semaphore, #tpu.memory_space<semaphore_mem>>)
    } else {
    }
    %ge3A = arith.constant 10 : i32
    %ge3A_38 = arith.cmpi sge, %add3A_34, %ge3A : i32
    %convert_element_type3A_39 = arith.extui %ge3A_38 : i1 to i32
    %cond3A_40 = arith.constant 0 : i32
    %cond3A_41 = arith.cmpi ne, %convert_element_type3A_39, %cond3A_40 : i32
    scf.if %cond3A_41 {
      %dma_start3A = arith.constant 0 : i32
      %dma_start3A_249 = arith.constant 0 : i32
      %dma_start3A_250 = tpu.memref_slice %arg6[%dma_start3A, %dma_start3A_249] : memref<53x128xi32, #tpu.memory_space<vmem>> -> memref<1x128xi32, #tpu.memory_space<vmem>>
      %dma_start3A_251 = tpu.memref_squeeze %dma_start3A_250 : memref<1x128xi32, #tpu.memory_space<vmem>> -> memref<128xi32, #tpu.memory_space<vmem>>
      %dma_start3A_252 = arith.constant 0 : i32
      %dma_start3A_253 = arith.constant 0 : i32
      %dma_start3A_254 = tpu.memref_slice %arg3[%dma_start3A_252, %dma_start3A_253] : memref<100000x128xf32, #tpu.memory_space<hbm>> -> memref<100000x128xf32, #tpu.memory_space<hbm>>
      tpu.enqueue_indirect_dma source(%dma_start3A_254 : memref<100000x128xf32, #tpu.memory_space<hbm>>) target(%arg7 : memref<128x128xf32, #tpu.memory_space<vmem>>) offsets(%dma_start3A_251 : memref<128xi32, #tpu.memory_space<vmem>>) semaphore(%arg13 : memref<!tpu.dma_semaphore, #tpu.memory_space<semaphore_mem>>)
    } else {
    }
    %add3A_42 = arith.constant 4 : i32
    %add3A_43 = arith.addi %select_n3A, %add3A_42 : i32
    %lt3A_44 = arith.constant 10 : i32
    %lt3A_45 = arith.cmpi slt, %add3A_43, %lt3A_44 : i32
    %convert_element_type3A_46 = arith.extui %lt3A_45 : i1 to i32
    %cond3A_47 = arith.constant 0 : i32
    %cond3A_48 = arith.cmpi ne, %convert_element_type3A_46, %cond3A_47 : i32
    scf.if %cond3A_48 {
      %dma_start3A = arith.constant 1 : i32
      %dma_start3A_249 = arith.constant 0 : i32
      %dma_start3A_250 = tpu.memref_slice %arg6[%dma_start3A, %dma_start3A_249] : memref<53x128xi32, #tpu.memory_space<vmem>> -> memref<1x128xi32, #tpu.memory_space<vmem>>
      %dma_start3A_251 = tpu.memref_squeeze %dma_start3A_250 : memref<1x128xi32, #tpu.memory_space<vmem>> -> memref<128xi32, #tpu.memory_space<vmem>>
      %dma_start3A_252 = arith.constant 0 : i32
      %dma_start3A_253 = arith.constant 0 : i32
      %dma_start3A_254 = tpu.memref_slice %arg4[%dma_start3A_252, %dma_start3A_253] : memref<1280x128xf32, #tpu.memory_space<hbm>> -> memref<1280x128xf32, #tpu.memory_space<hbm>>
      tpu.enqueue_indirect_dma source(%dma_start3A_254 : memref<1280x128xf32, #tpu.memory_space<hbm>>) target(%arg8 : memref<128x128xf32, #tpu.memory_space<vmem>>) offsets(%dma_start3A_251 : memref<128xi32, #tpu.memory_space<vmem>>) semaphore(%arg14 : memref<!tpu.dma_semaphore, #tpu.memory_space<semaphore_mem>>)
    } else {
    }
    %ge3A_49 = arith.constant 10 : i32
    %ge3A_50 = arith.cmpi sge, %add3A_43, %ge3A_49 : i32
    %convert_element_type3A_51 = arith.extui %ge3A_50 : i1 to i32
    %cond3A_52 = arith.constant 0 : i32
    %cond3A_53 = arith.cmpi ne, %convert_element_type3A_51, %cond3A_52 : i32
    scf.if %cond3A_53 {
      %dma_start3A = arith.constant 1 : i32
      %dma_start3A_249 = arith.constant 0 : i32
      %dma_start3A_250 = tpu.memref_slice %arg6[%dma_start3A, %dma_start3A_249] : memref<53x128xi32, #tpu.memory_space<vmem>> -> memref<1x128xi32, #tpu.memory_space<vmem>>
      %dma_start3A_251 = tpu.memref_squeeze %dma_start3A_250 : memref<1x128xi32, #tpu.memory_space<vmem>> -> memref<128xi32, #tpu.memory_space<vmem>>
      %dma_start3A_252 = arith.constant 0 : i32
      %dma_start3A_253 = arith.constant 0 : i32
      %dma_start3A_254 = tpu.memref_slice %arg3[%dma_start3A_252, %dma_start3A_253] : memref<100000x128xf32, #tpu.memory_space<hbm>> -> memref<100000x128xf32, #tpu.memory_space<hbm>>
      tpu.enqueue_indirect_dma source(%dma_start3A_254 : memref<100000x128xf32, #tpu.memory_space<hbm>>) target(%arg8 : memref<128x128xf32, #tpu.memory_space<vmem>>) offsets(%dma_start3A_251 : memref<128xi32, #tpu.memory_space<vmem>>) semaphore(%arg14 : memref<!tpu.dma_semaphore, #tpu.memory_space<semaphore_mem>>)
    } else {
    }
    %add3A_54 = arith.constant 8 : i32
    %add3A_55 = arith.addi %select_n3A, %add3A_54 : i32
    %lt3A_56 = arith.constant 10 : i32
    %lt3A_57 = arith.cmpi slt, %add3A_55, %lt3A_56 : i32
    %convert_element_type3A_58 = arith.extui %lt3A_57 : i1 to i32
    %cond3A_59 = arith.constant 0 : i32
    %cond3A_60 = arith.cmpi ne, %convert_element_type3A_58, %cond3A_59 : i32
    scf.if %cond3A_60 {
      %dma_start3A = arith.constant 2 : i32
      %dma_start3A_249 = arith.constant 0 : i32
      %dma_start3A_250 = tpu.memref_slice %arg6[%dma_start3A, %dma_start3A_249] : memref<53x128xi32, #tpu.memory_space<vmem>> -> memref<1x128xi32, #tpu.memory_space<vmem>>
      %dma_start3A_251 = tpu.memref_squeeze %dma_start3A_250 : memref<1x128xi32, #tpu.memory_space<vmem>> -> memref<128xi32, #tpu.memory_space<vmem>>
      %dma_start3A_252 = arith.constant 0 : i32
      %dma_start3A_253 = arith.constant 0 : i32
      %dma_start3A_254 = tpu.memref_slice %arg4[%dma_start3A_252, %dma_start3A_253] : memref<1280x128xf32, #tpu.memory_space<hbm>> -> memref<1280x128xf32, #tpu.memory_space<hbm>>
      tpu.enqueue_indirect_dma source(%dma_start3A_254 : memref<1280x128xf32, #tpu.memory_space<hbm>>) target(%arg9 : memref<128x128xf32, #tpu.memory_space<vmem>>) offsets(%dma_start3A_251 : memref<128xi32, #tpu.memory_space<vmem>>) semaphore(%arg15 : memref<!tpu.dma_semaphore, #tpu.memory_space<semaphore_mem>>)
    } else {
    }
    %ge3A_61 = arith.constant 10 : i32
    %ge3A_62 = arith.cmpi sge, %add3A_55, %ge3A_61 : i32
    %convert_element_type3A_63 = arith.extui %ge3A_62 : i1 to i32
    %cond3A_64 = arith.constant 0 : i32
    %cond3A_65 = arith.cmpi ne, %convert_element_type3A_63, %cond3A_64 : i32
    scf.if %cond3A_65 {
      %dma_start3A = arith.constant 2 : i32
      %dma_start3A_249 = arith.constant 0 : i32
      %dma_start3A_250 = tpu.memref_slice %arg6[%dma_start3A, %dma_start3A_249] : memref<53x128xi32, #tpu.memory_space<vmem>> -> memref<1x128xi32, #tpu.memory_space<vmem>>
      %dma_start3A_251 = tpu.memref_squeeze %dma_start3A_250 : memref<1x128xi32, #tpu.memory_space<vmem>> -> memref<128xi32, #tpu.memory_space<vmem>>
      %dma_start3A_252 = arith.constant 0 : i32
      %dma_start3A_253 = arith.constant 0 : i32
      %dma_start3A_254 = tpu.memref_slice %arg3[%dma_start3A_252, %dma_start3A_253] : memref<100000x128xf32, #tpu.memory_space<hbm>> -> memref<100000x128xf32, #tpu.memory_space<hbm>>
      tpu.enqueue_indirect_dma source(%dma_start3A_254 : memref<100000x128xf32, #tpu.memory_space<hbm>>) target(%arg9 : memref<128x128xf32, #tpu.memory_space<vmem>>) offsets(%dma_start3A_251 : memref<128xi32, #tpu.memory_space<vmem>>) semaphore(%arg15 : memref<!tpu.dma_semaphore, #tpu.memory_space<semaphore_mem>>)
    } else {
    }
    %scan3A = arith.constant 0 : i32
    %scan3A_66 = arith.constant 0 : i32
    %scan3A_67 = arith.constant 8 : i32
    %scan3A_68 = arith.addi %scan3A_66, %scan3A_67 : i32
    %scan3A_69 = arith.constant 1 : i32
    scf.for %scan3A_249 = %scan3A_66 to %scan3A_68 step %scan3A_69  : i32 {
      %mul3A_250 = arith.constant 6 : i32
      %mul3A_251 = arith.muli %mul3A_250, %scan3A_249 : i32
      %add3A_252 = arith.constant 0 : i32
      %add3A_253 = arith.addi %mul3A_251, %add3A_252 : i32
      %add3A_254 = arith.constant 3 : i32
      %add3A_255 = arith.addi %add3A_253, %add3A_254 : i32
      %lt3A_256 = arith.constant 53 : i32
      %lt3A_257 = arith.cmpi slt, %add3A_255, %lt3A_256 : i32
      %convert_element_type3A_258 = arith.extui %lt3A_257 : i1 to i32
      %cond3A_259 = arith.constant 0 : i32
      %cond3A_260 = arith.cmpi ne, %convert_element_type3A_258, %cond3A_259 : i32
      scf.if %cond3A_260 {
        %ge3A_442 = arith.constant 6 : i32
        %ge3A_443 = arith.cmpi sge, %add3A_255, %ge3A_442 : i32
        %convert_element_type3A_444 = arith.extui %ge3A_443 : i1 to i32
        %cond3A_445 = arith.constant 0 : i32
        %cond3A_446 = arith.cmpi ne, %convert_element_type3A_444, %cond3A_445 : i32
        scf.if %cond3A_446 {
          %dma_wait3A_460 = arith.constant 0 : i32
          %dma_wait3A_461 = arith.constant 0 : i32
          %dma_wait3A_462 = arith.constant 0 : i32
          %dma_wait3A_463 = tpu.memref_slice %arg5[%dma_wait3A_460, %dma_wait3A_461, %dma_wait3A_462] : memref<210x1024x128xf32, #tpu.memory_space<hbm>> -> memref<1x128x128xf32, #tpu.memory_space<hbm>>
          %dma_wait3A_464 = tpu.memref_squeeze %dma_wait3A_463 : memref<1x128x128xf32, #tpu.memory_space<hbm>> -> memref<128x128xf32, #tpu.memory_space<hbm>>
          %dma_wait3A_465 = arith.constant 0 : i32
          %dma_wait3A_466 = arith.constant 0 : i32
          %dma_wait3A_467 = tpu.memref_slice %arg5[%dma_wait3A_460, %dma_wait3A_465, %dma_wait3A_466] : memref<210x1024x128xf32, #tpu.memory_space<hbm>> -> memref<1x128x128xf32, #tpu.memory_space<hbm>>
          %dma_wait3A_468 = tpu.memref_squeeze %dma_wait3A_467 : memref<1x128x128xf32, #tpu.memory_space<hbm>> -> memref<128x128xf32, #tpu.memory_space<hbm>>
          tpu.wait_dma2 semaphore(%arg22 : memref<!tpu.dma_semaphore, #tpu.memory_space<semaphore_mem>>) src(%arg10 : memref<128x128xf32, #tpu.memory_space<vmem>>) dst(%dma_wait3A_468 : memref<128x128xf32, #tpu.memory_space<hbm>>)
        } else {
        }
        %mul3A_447 = arith.constant 4 : i32
        %mul3A_448 = arith.muli %mul3A_447, %add3A_255 : i32
        %add3A_449 = arith.addi %select_n3A, %mul3A_448 : i32
        %lt3A_450 = arith.constant 10 : i32
        %lt3A_451 = arith.cmpi slt, %add3A_449, %lt3A_450 : i32
        %convert_element_type3A_452 = arith.extui %lt3A_451 : i1 to i32
        %cond3A_453 = arith.constant 0 : i32
        %cond3A_454 = arith.cmpi ne, %convert_element_type3A_452, %cond3A_453 : i32
        scf.if %cond3A_454 {
          %dma_start3A = arith.constant 0 : i32
          %dma_start3A_460 = tpu.memref_slice %arg6[%add3A_255, %dma_start3A] : memref<53x128xi32, #tpu.memory_space<vmem>> -> memref<1x128xi32, #tpu.memory_space<vmem>>
          %dma_start3A_461 = tpu.memref_squeeze %dma_start3A_460 : memref<1x128xi32, #tpu.memory_space<vmem>> -> memref<128xi32, #tpu.memory_space<vmem>>
          %dma_start3A_462 = arith.constant 0 : i32
          %dma_start3A_463 = arith.constant 0 : i32
          %dma_start3A_464 = tpu.memref_slice %arg4[%dma_start3A_462, %dma_start3A_463] : memref<1280x128xf32, #tpu.memory_space<hbm>> -> memref<1280x128xf32, #tpu.memory_space<hbm>>
          tpu.enqueue_indirect_dma source(%dma_start3A_464 : memref<1280x128xf32, #tpu.memory_space<hbm>>) target(%arg10 : memref<128x128xf32, #tpu.memory_space<vmem>>) offsets(%dma_start3A_461 : memref<128xi32, #tpu.memory_space<vmem>>) semaphore(%arg16 : memref<!tpu.dma_semaphore, #tpu.memory_space<semaphore_mem>>)
        } else {
        }
        %ge3A_455 = arith.constant 10 : i32
        %ge3A_456 = arith.cmpi sge, %add3A_449, %ge3A_455 : i32
        %convert_element_type3A_457 = arith.extui %ge3A_456 : i1 to i32
        %cond3A_458 = arith.constant 0 : i32
        %cond3A_459 = arith.cmpi ne, %convert_element_type3A_457, %cond3A_458 : i32
        scf.if %cond3A_459 {
          %dma_start3A = arith.constant 0 : i32
          %dma_start3A_460 = tpu.memref_slice %arg6[%add3A_255, %dma_start3A] : memref<53x128xi32, #tpu.memory_space<vmem>> -> memref<1x128xi32, #tpu.memory_space<vmem>>
          %dma_start3A_461 = tpu.memref_squeeze %dma_start3A_460 : memref<1x128xi32, #tpu.memory_space<vmem>> -> memref<128xi32, #tpu.memory_space<vmem>>
          %dma_start3A_462 = arith.constant 0 : i32
          %dma_start3A_463 = arith.constant 0 : i32
          %dma_start3A_464 = tpu.memref_slice %arg3[%dma_start3A_462, %dma_start3A_463] : memref<100000x128xf32, #tpu.memory_space<hbm>> -> memref<100000x128xf32, #tpu.memory_space<hbm>>
          tpu.enqueue_indirect_dma source(%dma_start3A_464 : memref<100000x128xf32, #tpu.memory_space<hbm>>) target(%arg10 : memref<128x128xf32, #tpu.memory_space<vmem>>) offsets(%dma_start3A_461 : memref<128xi32, #tpu.memory_space<vmem>>) semaphore(%arg16 : memref<!tpu.dma_semaphore, #tpu.memory_space<semaphore_mem>>)
        } else {
        }
      } else {
      }
      %mul3A_261 = arith.constant 4 : i32
      %mul3A_262 = arith.muli %mul3A_261, %add3A_253 : i32
      %add3A_263 = arith.addi %select_n3A, %mul3A_262 : i32
      %lt3A_264 = arith.constant 10 : i32
      %lt3A_265 = arith.cmpi slt, %add3A_263, %lt3A_264 : i32
      %convert_element_type3A_266 = arith.extui %lt3A_265 : i1 to i32
      %cond3A_267 = arith.constant 0 : i32
      %cond3A_268 = arith.cmpi ne, %convert_element_type3A_266, %cond3A_267 : i32
      scf.if %cond3A_268 {
        %dma_wait3A_442 = arith.constant 0 : i32
        %dma_wait3A_443 = tpu.memref_slice %arg6[%add3A_253, %dma_wait3A_442] : memref<53x128xi32, #tpu.memory_space<vmem>> -> memref<1x128xi32, #tpu.memory_space<vmem>>
        %dma_wait3A_444 = tpu.memref_squeeze %dma_wait3A_443 : memref<1x128xi32, #tpu.memory_space<vmem>> -> memref<128xi32, #tpu.memory_space<vmem>>
        %dma_wait3A_445 = arith.constant 0 : i32
        %dma_wait3A_446 = arith.constant 0 : i32
        %dma_wait3A_447 = tpu.memref_slice %arg4[%dma_wait3A_445, %dma_wait3A_446] : memref<1280x128xf32, #tpu.memory_space<hbm>> -> memref<1280x128xf32, #tpu.memory_space<hbm>>
        tpu.wait_indirect_dma semaphore(%arg13 : memref<!tpu.dma_semaphore, #tpu.memory_space<semaphore_mem>>) src(%dma_wait3A_447 : memref<1280x128xf32, #tpu.memory_space<hbm>>) dst(%arg7 : memref<128x128xf32, #tpu.memory_space<vmem>>)
      } else {
      }
      %ge3A_269 = arith.constant 10 : i32
      %ge3A_270 = arith.cmpi sge, %add3A_263, %ge3A_269 : i32
      %convert_element_type3A_271 = arith.extui %ge3A_270 : i1 to i32
      %cond3A_272 = arith.constant 0 : i32
      %cond3A_273 = arith.cmpi ne, %convert_element_type3A_271, %cond3A_272 : i32
      scf.if %cond3A_273 {
        %dma_wait3A_442 = arith.constant 0 : i32
        %dma_wait3A_443 = tpu.memref_slice %arg6[%add3A_253, %dma_wait3A_442] : memref<53x128xi32, #tpu.memory_space<vmem>> -> memref<1x128xi32, #tpu.memory_space<vmem>>
        %dma_wait3A_444 = tpu.memref_squeeze %dma_wait3A_443 : memref<1x128xi32, #tpu.memory_space<vmem>> -> memref<128xi32, #tpu.memory_space<vmem>>
        %dma_wait3A_445 = arith.constant 0 : i32
        %dma_wait3A_446 = arith.constant 0 : i32
        %dma_wait3A_447 = tpu.memref_slice %arg3[%dma_wait3A_445, %dma_wait3A_446] : memref<100000x128xf32, #tpu.memory_space<hbm>> -> memref<100000x128xf32, #tpu.memory_space<hbm>>
        tpu.wait_indirect_dma semaphore(%arg13 : memref<!tpu.dma_semaphore, #tpu.memory_space<semaphore_mem>>) src(%dma_wait3A_447 : memref<100000x128xf32, #tpu.memory_space<hbm>>) dst(%arg7 : memref<128x128xf32, #tpu.memory_space<vmem>>)
      } else {
      }
      %mul3A_274 = arith.constant 4 : i32
      %mul3A_275 = arith.muli %mul3A_274, %add3A_253 : i32
      %add3A_276 = arith.addi %select_n3A, %mul3A_275 : i32
      %lt3A_277 = arith.constant 210 : i32
      %lt3A_278 = arith.cmpi slt, %add3A_276, %lt3A_277 : i32
      %convert_element_type3A_279 = arith.extui %lt3A_278 : i1 to i32
      %cond3A_280 = arith.constant 0 : i32
      %cond3A_281 = arith.cmpi ne, %convert_element_type3A_279, %cond3A_280 : i32
      scf.if %cond3A_281 {
        %dma_start3A = arith.constant 0 : i32
        %dma_start3A_442 = tpu.memref_slice %arg5[%add3A_276, %mul3A_32, %dma_start3A] : memref<210x1024x128xf32, #tpu.memory_space<hbm>> -> memref<1x128x128xf32, #tpu.memory_space<hbm>>
        %dma_start3A_443 = tpu.memref_squeeze %dma_start3A_442 : memref<1x128x128xf32, #tpu.memory_space<hbm>> -> memref<128x128xf32, #tpu.memory_space<hbm>>
        %dma_start3A_444 = arith.constant 0 : i32
        %dma_start3A_445 = tpu.memref_slice %arg5[%add3A_276, %mul3A_32, %dma_start3A_444] : memref<210x1024x128xf32, #tpu.memory_space<hbm>> -> memref<1x128x128xf32, #tpu.memory_space<hbm>>
        %dma_start3A_446 = tpu.memref_squeeze %dma_start3A_445 : memref<1x128x128xf32, #tpu.memory_space<hbm>> -> memref<128x128xf32, #tpu.memory_space<hbm>>
        tpu.enqueue_dma source(%arg7 : memref<128x128xf32, #tpu.memory_space<vmem>>) target(%dma_start3A_446 : memref<128x128xf32, #tpu.memory_space<hbm>>) target_semaphore(%arg19 : memref<!tpu.dma_semaphore, #tpu.memory_space<semaphore_mem>>)
      } else {
      }
      %mul3A_282 = arith.constant 6 : i32
      %mul3A_283 = arith.muli %mul3A_282, %scan3A_249 : i32
      %add3A_284 = arith.constant 1 : i32
      %add3A_285 = arith.addi %mul3A_283, %add3A_284 : i32
      %add3A_286 = arith.constant 3 : i32
      %add3A_287 = arith.addi %add3A_285, %add3A_286 : i32
      %lt3A_288 = arith.constant 53 : i32
      %lt3A_289 = arith.cmpi slt, %add3A_287, %lt3A_288 : i32
      %convert_element_type3A_290 = arith.extui %lt3A_289 : i1 to i32
      %cond3A_291 = arith.constant 0 : i32
      %cond3A_292 = arith.cmpi ne, %convert_element_type3A_290, %cond3A_291 : i32
      scf.if %cond3A_292 {
        %ge3A_442 = arith.constant 6 : i32
        %ge3A_443 = arith.cmpi sge, %add3A_287, %ge3A_442 : i32
        %convert_element_type3A_444 = arith.extui %ge3A_443 : i1 to i32
        %cond3A_445 = arith.constant 0 : i32
        %cond3A_446 = arith.cmpi ne, %convert_element_type3A_444, %cond3A_445 : i32
        scf.if %cond3A_446 {
          %dma_wait3A_460 = arith.constant 0 : i32
          %dma_wait3A_461 = arith.constant 0 : i32
          %dma_wait3A_462 = arith.constant 0 : i32
          %dma_wait3A_463 = tpu.memref_slice %arg5[%dma_wait3A_460, %dma_wait3A_461, %dma_wait3A_462] : memref<210x1024x128xf32, #tpu.memory_space<hbm>> -> memref<1x128x128xf32, #tpu.memory_space<hbm>>
          %dma_wait3A_464 = tpu.memref_squeeze %dma_wait3A_463 : memref<1x128x128xf32, #tpu.memory_space<hbm>> -> memref<128x128xf32, #tpu.memory_space<hbm>>
          %dma_wait3A_465 = arith.constant 0 : i32
          %dma_wait3A_466 = arith.constant 0 : i32
          %dma_wait3A_467 = tpu.memref_slice %arg5[%dma_wait3A_460, %dma_wait3A_465, %dma_wait3A_466] : memref<210x1024x128xf32, #tpu.memory_space<hbm>> -> memref<1x128x128xf32, #tpu.memory_space<hbm>>
          %dma_wait3A_468 = tpu.memref_squeeze %dma_wait3A_467 : memref<1x128x128xf32, #tpu.memory_space<hbm>> -> memref<128x128xf32, #tpu.memory_space<hbm>>
          tpu.wait_dma2 semaphore(%arg23 : memref<!tpu.dma_semaphore, #tpu.memory_space<semaphore_mem>>) src(%arg11 : memref<128x128xf32, #tpu.memory_space<vmem>>) dst(%dma_wait3A_468 : memref<128x128xf32, #tpu.memory_space<hbm>>)
        } else {
        }
        %mul3A_447 = arith.constant 4 : i32
        %mul3A_448 = arith.muli %mul3A_447, %add3A_287 : i32
        %add3A_449 = arith.addi %select_n3A, %mul3A_448 : i32
        %lt3A_450 = arith.constant 10 : i32
        %lt3A_451 = arith.cmpi slt, %add3A_449, %lt3A_450 : i32
        %convert_element_type3A_452 = arith.extui %lt3A_451 : i1 to i32
        %cond3A_453 = arith.constant 0 : i32
        %cond3A_454 = arith.cmpi ne, %convert_element_type3A_452, %cond3A_453 : i32
        scf.if %cond3A_454 {
          %dma_start3A = arith.constant 0 : i32
          %dma_start3A_460 = tpu.memref_slice %arg6[%add3A_287, %dma_start3A] : memref<53x128xi32, #tpu.memory_space<vmem>> -> memref<1x128xi32, #tpu.memory_space<vmem>>
          %dma_start3A_461 = tpu.memref_squeeze %dma_start3A_460 : memref<1x128xi32, #tpu.memory_space<vmem>> -> memref<128xi32, #tpu.memory_space<vmem>>
          %dma_start3A_462 = arith.constant 0 : i32
          %dma_start3A_463 = arith.constant 0 : i32
          %dma_start3A_464 = tpu.memref_slice %arg4[%dma_start3A_462, %dma_start3A_463] : memref<1280x128xf32, #tpu.memory_space<hbm>> -> memref<1280x128xf32, #tpu.memory_space<hbm>>
          tpu.enqueue_indirect_dma source(%dma_start3A_464 : memref<1280x128xf32, #tpu.memory_space<hbm>>) target(%arg11 : memref<128x128xf32, #tpu.memory_space<vmem>>) offsets(%dma_start3A_461 : memref<128xi32, #tpu.memory_space<vmem>>) semaphore(%arg17 : memref<!tpu.dma_semaphore, #tpu.memory_space<semaphore_mem>>)
        } else {
        }
        %ge3A_455 = arith.constant 10 : i32
        %ge3A_456 = arith.cmpi sge, %add3A_449, %ge3A_455 : i32
        %convert_element_type3A_457 = arith.extui %ge3A_456 : i1 to i32
        %cond3A_458 = arith.constant 0 : i32
        %cond3A_459 = arith.cmpi ne, %convert_element_type3A_457, %cond3A_458 : i32
        scf.if %cond3A_459 {
          %dma_start3A = arith.constant 0 : i32
          %dma_start3A_460 = tpu.memref_slice %arg6[%add3A_287, %dma_start3A] : memref<53x128xi32, #tpu.memory_space<vmem>> -> memref<1x128xi32, #tpu.memory_space<vmem>>
          %dma_start3A_461 = tpu.memref_squeeze %dma_start3A_460 : memref<1x128xi32, #tpu.memory_space<vmem>> -> memref<128xi32, #tpu.memory_space<vmem>>
          %dma_start3A_462 = arith.constant 0 : i32
          %dma_start3A_463 = arith.constant 0 : i32
          %dma_start3A_464 = tpu.memref_slice %arg3[%dma_start3A_462, %dma_start3A_463] : memref<100000x128xf32, #tpu.memory_space<hbm>> -> memref<100000x128xf32, #tpu.memory_space<hbm>>
          tpu.enqueue_indirect_dma source(%dma_start3A_464 : memref<100000x128xf32, #tpu.memory_space<hbm>>) target(%arg11 : memref<128x128xf32, #tpu.memory_space<vmem>>) offsets(%dma_start3A_461 : memref<128xi32, #tpu.memory_space<vmem>>) semaphore(%arg17 : memref<!tpu.dma_semaphore, #tpu.memory_space<semaphore_mem>>)
        } else {
        }
      } else {
      }
      %mul3A_293 = arith.constant 4 : i32
      %mul3A_294 = arith.muli %mul3A_293, %add3A_285 : i32
      %add3A_295 = arith.addi %select_n3A, %mul3A_294 : i32
      %lt3A_296 = arith.constant 10 : i32
      %lt3A_297 = arith.cmpi slt, %add3A_295, %lt3A_296 : i32
      %convert_element_type3A_298 = arith.extui %lt3A_297 : i1 to i32
      %cond3A_299 = arith.constant 0 : i32
      %cond3A_300 = arith.cmpi ne, %convert_element_type3A_298, %cond3A_299 : i32
      scf.if %cond3A_300 {
        %dma_wait3A_442 = arith.constant 0 : i32
        %dma_wait3A_443 = tpu.memref_slice %arg6[%add3A_285, %dma_wait3A_442] : memref<53x128xi32, #tpu.memory_space<vmem>> -> memref<1x128xi32, #tpu.memory_space<vmem>>
        %dma_wait3A_444 = tpu.memref_squeeze %dma_wait3A_443 : memref<1x128xi32, #tpu.memory_space<vmem>> -> memref<128xi32, #tpu.memory_space<vmem>>
        %dma_wait3A_445 = arith.constant 0 : i32
        %dma_wait3A_446 = arith.constant 0 : i32
        %dma_wait3A_447 = tpu.memref_slice %arg4[%dma_wait3A_445, %dma_wait3A_446] : memref<1280x128xf32, #tpu.memory_space<hbm>> -> memref<1280x128xf32, #tpu.memory_space<hbm>>
        tpu.wait_indirect_dma semaphore(%arg14 : memref<!tpu.dma_semaphore, #tpu.memory_space<semaphore_mem>>) src(%dma_wait3A_447 : memref<1280x128xf32, #tpu.memory_space<hbm>>) dst(%arg8 : memref<128x128xf32, #tpu.memory_space<vmem>>)
      } else {
      }
      %ge3A_301 = arith.constant 10 : i32
      %ge3A_302 = arith.cmpi sge, %add3A_295, %ge3A_301 : i32
      %convert_element_type3A_303 = arith.extui %ge3A_302 : i1 to i32
      %cond3A_304 = arith.constant 0 : i32
      %cond3A_305 = arith.cmpi ne, %convert_element_type3A_303, %cond3A_304 : i32
      scf.if %cond3A_305 {
        %dma_wait3A_442 = arith.constant 0 : i32
        %dma_wait3A_443 = tpu.memref_slice %arg6[%add3A_285, %dma_wait3A_442] : memref<53x128xi32, #tpu.memory_space<vmem>> -> memref<1x128xi32, #tpu.memory_space<vmem>>
        %dma_wait3A_444 = tpu.memref_squeeze %dma_wait3A_443 : memref<1x128xi32, #tpu.memory_space<vmem>> -> memref<128xi32, #tpu.memory_space<vmem>>
        %dma_wait3A_445 = arith.constant 0 : i32
        %dma_wait3A_446 = arith.constant 0 : i32
        %dma_wait3A_447 = tpu.memref_slice %arg3[%dma_wait3A_445, %dma_wait3A_446] : memref<100000x128xf32, #tpu.memory_space<hbm>> -> memref<100000x128xf32, #tpu.memory_space<hbm>>
        tpu.wait_indirect_dma semaphore(%arg14 : memref<!tpu.dma_semaphore, #tpu.memory_space<semaphore_mem>>) src(%dma_wait3A_447 : memref<100000x128xf32, #tpu.memory_space<hbm>>) dst(%arg8 : memref<128x128xf32, #tpu.memory_space<vmem>>)
      } else {
      }
      %mul3A_306 = arith.constant 4 : i32
      %mul3A_307 = arith.muli %mul3A_306, %add3A_285 : i32
      %add3A_308 = arith.addi %select_n3A, %mul3A_307 : i32
      %lt3A_309 = arith.constant 210 : i32
      %lt3A_310 = arith.cmpi slt, %add3A_308, %lt3A_309 : i32
      %convert_element_type3A_311 = arith.extui %lt3A_310 : i1 to i32
      %cond3A_312 = arith.constant 0 : i32
      %cond3A_313 = arith.cmpi ne, %convert_element_type3A_311, %cond3A_312 : i32
      scf.if %cond3A_313 {
        %dma_start3A = arith.constant 0 : i32
        %dma_start3A_442 = tpu.memref_slice %arg5[%add3A_308, %mul3A_32, %dma_start3A] : memref<210x1024x128xf32, #tpu.memory_space<hbm>> -> memref<1x128x128xf32, #tpu.memory_space<hbm>>
        %dma_start3A_443 = tpu.memref_squeeze %dma_start3A_442 : memref<1x128x128xf32, #tpu.memory_space<hbm>> -> memref<128x128xf32, #tpu.memory_space<hbm>>
        %dma_start3A_444 = arith.constant 0 : i32
        %dma_start3A_445 = tpu.memref_slice %arg5[%add3A_308, %mul3A_32, %dma_start3A_444] : memref<210x1024x128xf32, #tpu.memory_space<hbm>> -> memref<1x128x128xf32, #tpu.memory_space<hbm>>
        %dma_start3A_446 = tpu.memref_squeeze %dma_start3A_445 : memref<1x128x128xf32, #tpu.memory_space<hbm>> -> memref<128x128xf32, #tpu.memory_space<hbm>>
        tpu.enqueue_dma source(%arg8 : memref<128x128xf32, #tpu.memory_space<vmem>>) target(%dma_start3A_446 : memref<128x128xf32, #tpu.memory_space<hbm>>) target_semaphore(%arg20 : memref<!tpu.dma_semaphore, #tpu.memory_space<semaphore_mem>>)
      } else {
      }
      %mul3A_314 = arith.constant 6 : i32
      %mul3A_315 = arith.muli %mul3A_314, %scan3A_249 : i32
      %add3A_316 = arith.constant 2 : i32
      %add3A_317 = arith.addi %mul3A_315, %add3A_316 : i32
      %add3A_318 = arith.constant 3 : i32
      %add3A_319 = arith.addi %add3A_317, %add3A_318 : i32
      %lt3A_320 = arith.constant 53 : i32
      %lt3A_321 = arith.cmpi slt, %add3A_319, %lt3A_320 : i32
      %convert_element_type3A_322 = arith.extui %lt3A_321 : i1 to i32
      %cond3A_323 = arith.constant 0 : i32
      %cond3A_324 = arith.cmpi ne, %convert_element_type3A_322, %cond3A_323 : i32
      scf.if %cond3A_324 {
        %ge3A_442 = arith.constant 6 : i32
        %ge3A_443 = arith.cmpi sge, %add3A_319, %ge3A_442 : i32
        %convert_element_type3A_444 = arith.extui %ge3A_443 : i1 to i32
        %cond3A_445 = arith.constant 0 : i32
        %cond3A_446 = arith.cmpi ne, %convert_element_type3A_444, %cond3A_445 : i32
        scf.if %cond3A_446 {
          %dma_wait3A_460 = arith.constant 0 : i32
          %dma_wait3A_461 = arith.constant 0 : i32
          %dma_wait3A_462 = arith.constant 0 : i32
          %dma_wait3A_463 = tpu.memref_slice %arg5[%dma_wait3A_460, %dma_wait3A_461, %dma_wait3A_462] : memref<210x1024x128xf32, #tpu.memory_space<hbm>> -> memref<1x128x128xf32, #tpu.memory_space<hbm>>
          %dma_wait3A_464 = tpu.memref_squeeze %dma_wait3A_463 : memref<1x128x128xf32, #tpu.memory_space<hbm>> -> memref<128x128xf32, #tpu.memory_space<hbm>>
          %dma_wait3A_465 = arith.constant 0 : i32
          %dma_wait3A_466 = arith.constant 0 : i32
          %dma_wait3A_467 = tpu.memref_slice %arg5[%dma_wait3A_460, %dma_wait3A_465, %dma_wait3A_466] : memref<210x1024x128xf32, #tpu.memory_space<hbm>> -> memref<1x128x128xf32, #tpu.memory_space<hbm>>
          %dma_wait3A_468 = tpu.memref_squeeze %dma_wait3A_467 : memref<1x128x128xf32, #tpu.memory_space<hbm>> -> memref<128x128xf32, #tpu.memory_space<hbm>>
          tpu.wait_dma2 semaphore(%arg24 : memref<!tpu.dma_semaphore, #tpu.memory_space<semaphore_mem>>) src(%arg12 : memref<128x128xf32, #tpu.memory_space<vmem>>) dst(%dma_wait3A_468 : memref<128x128xf32, #tpu.memory_space<hbm>>)
        } else {
        }
        %mul3A_447 = arith.constant 4 : i32
        %mul3A_448 = arith.muli %mul3A_447, %add3A_319 : i32
        %add3A_449 = arith.addi %select_n3A, %mul3A_448 : i32
        %lt3A_450 = arith.constant 10 : i32
        %lt3A_451 = arith.cmpi slt, %add3A_449, %lt3A_450 : i32
        %convert_element_type3A_452 = arith.extui %lt3A_451 : i1 to i32
        %cond3A_453 = arith.constant 0 : i32
        %cond3A_454 = arith.cmpi ne, %convert_element_type3A_452, %cond3A_453 : i32
        scf.if %cond3A_454 {
          %dma_start3A = arith.constant 0 : i32
          %dma_start3A_460 = tpu.memref_slice %arg6[%add3A_319, %dma_start3A] : memref<53x128xi32, #tpu.memory_space<vmem>> -> memref<1x128xi32, #tpu.memory_space<vmem>>
          %dma_start3A_461 = tpu.memref_squeeze %dma_start3A_460 : memref<1x128xi32, #tpu.memory_space<vmem>> -> memref<128xi32, #tpu.memory_space<vmem>>
          %dma_start3A_462 = arith.constant 0 : i32
          %dma_start3A_463 = arith.constant 0 : i32
          %dma_start3A_464 = tpu.memref_slice %arg4[%dma_start3A_462, %dma_start3A_463] : memref<1280x128xf32, #tpu.memory_space<hbm>> -> memref<1280x128xf32, #tpu.memory_space<hbm>>
          tpu.enqueue_indirect_dma source(%dma_start3A_464 : memref<1280x128xf32, #tpu.memory_space<hbm>>) target(%arg12 : memref<128x128xf32, #tpu.memory_space<vmem>>) offsets(%dma_start3A_461 : memref<128xi32, #tpu.memory_space<vmem>>) semaphore(%arg18 : memref<!tpu.dma_semaphore, #tpu.memory_space<semaphore_mem>>)
        } else {
        }
        %ge3A_455 = arith.constant 10 : i32
        %ge3A_456 = arith.cmpi sge, %add3A_449, %ge3A_455 : i32
        %convert_element_type3A_457 = arith.extui %ge3A_456 : i1 to i32
        %cond3A_458 = arith.constant 0 : i32
        %cond3A_459 = arith.cmpi ne, %convert_element_type3A_457, %cond3A_458 : i32
        scf.if %cond3A_459 {
          %dma_start3A = arith.constant 0 : i32
          %dma_start3A_460 = tpu.memref_slice %arg6[%add3A_319, %dma_start3A] : memref<53x128xi32, #tpu.memory_space<vmem>> -> memref<1x128xi32, #tpu.memory_space<vmem>>
          %dma_start3A_461 = tpu.memref_squeeze %dma_start3A_460 : memref<1x128xi32, #tpu.memory_space<vmem>> -> memref<128xi32, #tpu.memory_space<vmem>>
          %dma_start3A_462 = arith.constant 0 : i32
          %dma_start3A_463 = arith.constant 0 : i32
          %dma_start3A_464 = tpu.memref_slice %arg3[%dma_start3A_462, %dma_start3A_463] : memref<100000x128xf32, #tpu.memory_space<hbm>> -> memref<100000x128xf32, #tpu.memory_space<hbm>>
          tpu.enqueue_indirect_dma source(%dma_start3A_464 : memref<100000x128xf32, #tpu.memory_space<hbm>>) target(%arg12 : memref<128x128xf32, #tpu.memory_space<vmem>>) offsets(%dma_start3A_461 : memref<128xi32, #tpu.memory_space<vmem>>) semaphore(%arg18 : memref<!tpu.dma_semaphore, #tpu.memory_space<semaphore_mem>>)
        } else {
        }
      } else {
      }
      %mul3A_325 = arith.constant 4 : i32
      %mul3A_326 = arith.muli %mul3A_325, %add3A_317 : i32
      %add3A_327 = arith.addi %select_n3A, %mul3A_326 : i32
      %lt3A_328 = arith.constant 10 : i32
      %lt3A_329 = arith.cmpi slt, %add3A_327, %lt3A_328 : i32
      %convert_element_type3A_330 = arith.extui %lt3A_329 : i1 to i32
      %cond3A_331 = arith.constant 0 : i32
      %cond3A_332 = arith.cmpi ne, %convert_element_type3A_330, %cond3A_331 : i32
      scf.if %cond3A_332 {
        %dma_wait3A_442 = arith.constant 0 : i32
        %dma_wait3A_443 = tpu.memref_slice %arg6[%add3A_317, %dma_wait3A_442] : memref<53x128xi32, #tpu.memory_space<vmem>> -> memref<1x128xi32, #tpu.memory_space<vmem>>
        %dma_wait3A_444 = tpu.memref_squeeze %dma_wait3A_443 : memref<1x128xi32, #tpu.memory_space<vmem>> -> memref<128xi32, #tpu.memory_space<vmem>>
        %dma_wait3A_445 = arith.constant 0 : i32
        %dma_wait3A_446 = arith.constant 0 : i32
        %dma_wait3A_447 = tpu.memref_slice %arg4[%dma_wait3A_445, %dma_wait3A_446] : memref<1280x128xf32, #tpu.memory_space<hbm>> -> memref<1280x128xf32, #tpu.memory_space<hbm>>
        tpu.wait_indirect_dma semaphore(%arg15 : memref<!tpu.dma_semaphore, #tpu.memory_space<semaphore_mem>>) src(%dma_wait3A_447 : memref<1280x128xf32, #tpu.memory_space<hbm>>) dst(%arg9 : memref<128x128xf32, #tpu.memory_space<vmem>>)
      } else {
      }
      %ge3A_333 = arith.constant 10 : i32
      %ge3A_334 = arith.cmpi sge, %add3A_327, %ge3A_333 : i32
      %convert_element_type3A_335 = arith.extui %ge3A_334 : i1 to i32
      %cond3A_336 = arith.constant 0 : i32
      %cond3A_337 = arith.cmpi ne, %convert_element_type3A_335, %cond3A_336 : i32
      scf.if %cond3A_337 {
        %dma_wait3A_442 = arith.constant 0 : i32
        %dma_wait3A_443 = tpu.memref_slice %arg6[%add3A_317, %dma_wait3A_442] : memref<53x128xi32, #tpu.memory_space<vmem>> -> memref<1x128xi32, #tpu.memory_space<vmem>>
        %dma_wait3A_444 = tpu.memref_squeeze %dma_wait3A_443 : memref<1x128xi32, #tpu.memory_space<vmem>> -> memref<128xi32, #tpu.memory_space<vmem>>
        %dma_wait3A_445 = arith.constant 0 : i32
        %dma_wait3A_446 = arith.constant 0 : i32
        %dma_wait3A_447 = tpu.memref_slice %arg3[%dma_wait3A_445, %dma_wait3A_446] : memref<100000x128xf32, #tpu.memory_space<hbm>> -> memref<100000x128xf32, #tpu.memory_space<hbm>>
        tpu.wait_indirect_dma semaphore(%arg15 : memref<!tpu.dma_semaphore, #tpu.memory_space<semaphore_mem>>) src(%dma_wait3A_447 : memref<100000x128xf32, #tpu.memory_space<hbm>>) dst(%arg9 : memref<128x128xf32, #tpu.memory_space<vmem>>)
      } else {
      }
      %mul3A_338 = arith.constant 4 : i32
      %mul3A_339 = arith.muli %mul3A_338, %add3A_317 : i32
      %add3A_340 = arith.addi %select_n3A, %mul3A_339 : i32
      %lt3A_341 = arith.constant 210 : i32
      %lt3A_342 = arith.cmpi slt, %add3A_340, %lt3A_341 : i32
      %convert_element_type3A_343 = arith.extui %lt3A_342 : i1 to i32
      %cond3A_344 = arith.constant 0 : i32
      %cond3A_345 = arith.cmpi ne, %convert_element_type3A_343, %cond3A_344 : i32
      scf.if %cond3A_345 {
        %dma_start3A = arith.constant 0 : i32
        %dma_start3A_442 = tpu.memref_slice %arg5[%add3A_340, %mul3A_32, %dma_start3A] : memref<210x1024x128xf32, #tpu.memory_space<hbm>> -> memref<1x128x128xf32, #tpu.memory_space<hbm>>
        %dma_start3A_443 = tpu.memref_squeeze %dma_start3A_442 : memref<1x128x128xf32, #tpu.memory_space<hbm>> -> memref<128x128xf32, #tpu.memory_space<hbm>>
        %dma_start3A_444 = arith.constant 0 : i32
        %dma_start3A_445 = tpu.memref_slice %arg5[%add3A_340, %mul3A_32, %dma_start3A_444] : memref<210x1024x128xf32, #tpu.memory_space<hbm>> -> memref<1x128x128xf32, #tpu.memory_space<hbm>>
        %dma_start3A_446 = tpu.memref_squeeze %dma_start3A_445 : memref<1x128x128xf32, #tpu.memory_space<hbm>> -> memref<128x128xf32, #tpu.memory_space<hbm>>
        tpu.enqueue_dma source(%arg9 : memref<128x128xf32, #tpu.memory_space<vmem>>) target(%dma_start3A_446 : memref<128x128xf32, #tpu.memory_space<hbm>>) target_semaphore(%arg21 : memref<!tpu.dma_semaphore, #tpu.memory_space<semaphore_mem>>)
      } else {
      }
      %mul3A_346 = arith.constant 6 : i32
      %mul3A_347 = arith.muli %mul3A_346, %scan3A_249 : i32
      %add3A_348 = arith.constant 3 : i32
      %add3A_349 = arith.addi %mul3A_347, %add3A_348 : i32
      %add3A_350 = arith.constant 3 : i32
      %add3A_351 = arith.addi %add3A_349, %add3A_350 : i32
      %lt3A_352 = arith.constant 53 : i32
      %lt3A_353 = arith.cmpi slt, %add3A_351, %lt3A_352 : i32
      %convert_element_type3A_354 = arith.extui %lt3A_353 : i1 to i32
      %cond3A_355 = arith.constant 0 : i32
      %cond3A_356 = arith.cmpi ne, %convert_element_type3A_354, %cond3A_355 : i32
      scf.if %cond3A_356 {
        %ge3A_442 = arith.constant 6 : i32
        %ge3A_443 = arith.cmpi sge, %add3A_351, %ge3A_442 : i32
        %convert_element_type3A_444 = arith.extui %ge3A_443 : i1 to i32
        %cond3A_445 = arith.constant 0 : i32
        %cond3A_446 = arith.cmpi ne, %convert_element_type3A_444, %cond3A_445 : i32
        scf.if %cond3A_446 {
          %dma_wait3A_460 = arith.constant 0 : i32
          %dma_wait3A_461 = arith.constant 0 : i32
          %dma_wait3A_462 = arith.constant 0 : i32
          %dma_wait3A_463 = tpu.memref_slice %arg5[%dma_wait3A_460, %dma_wait3A_461, %dma_wait3A_462] : memref<210x1024x128xf32, #tpu.memory_space<hbm>> -> memref<1x128x128xf32, #tpu.memory_space<hbm>>
          %dma_wait3A_464 = tpu.memref_squeeze %dma_wait3A_463 : memref<1x128x128xf32, #tpu.memory_space<hbm>> -> memref<128x128xf32, #tpu.memory_space<hbm>>
          %dma_wait3A_465 = arith.constant 0 : i32
          %dma_wait3A_466 = arith.constant 0 : i32
          %dma_wait3A_467 = tpu.memref_slice %arg5[%dma_wait3A_460, %dma_wait3A_465, %dma_wait3A_466] : memref<210x1024x128xf32, #tpu.memory_space<hbm>> -> memref<1x128x128xf32, #tpu.memory_space<hbm>>
          %dma_wait3A_468 = tpu.memref_squeeze %dma_wait3A_467 : memref<1x128x128xf32, #tpu.memory_space<hbm>> -> memref<128x128xf32, #tpu.memory_space<hbm>>
          tpu.wait_dma2 semaphore(%arg19 : memref<!tpu.dma_semaphore, #tpu.memory_space<semaphore_mem>>) src(%arg7 : memref<128x128xf32, #tpu.memory_space<vmem>>) dst(%dma_wait3A_468 : memref<128x128xf32, #tpu.memory_space<hbm>>)
        } else {
        }
        %mul3A_447 = arith.constant 4 : i32
        %mul3A_448 = arith.muli %mul3A_447, %add3A_351 : i32
        %add3A_449 = arith.addi %select_n3A, %mul3A_448 : i32
        %lt3A_450 = arith.constant 10 : i32
        %lt3A_451 = arith.cmpi slt, %add3A_449, %lt3A_450 : i32
        %convert_element_type3A_452 = arith.extui %lt3A_451 : i1 to i32
        %cond3A_453 = arith.constant 0 : i32
        %cond3A_454 = arith.cmpi ne, %convert_element_type3A_452, %cond3A_453 : i32
        scf.if %cond3A_454 {
          %dma_start3A = arith.constant 0 : i32
          %dma_start3A_460 = tpu.memref_slice %arg6[%add3A_351, %dma_start3A] : memref<53x128xi32, #tpu.memory_space<vmem>> -> memref<1x128xi32, #tpu.memory_space<vmem>>
          %dma_start3A_461 = tpu.memref_squeeze %dma_start3A_460 : memref<1x128xi32, #tpu.memory_space<vmem>> -> memref<128xi32, #tpu.memory_space<vmem>>
          %dma_start3A_462 = arith.constant 0 : i32
          %dma_start3A_463 = arith.constant 0 : i32
          %dma_start3A_464 = tpu.memref_slice %arg4[%dma_start3A_462, %dma_start3A_463] : memref<1280x128xf32, #tpu.memory_space<hbm>> -> memref<1280x128xf32, #tpu.memory_space<hbm>>
          tpu.enqueue_indirect_dma source(%dma_start3A_464 : memref<1280x128xf32, #tpu.memory_space<hbm>>) target(%arg7 : memref<128x128xf32, #tpu.memory_space<vmem>>) offsets(%dma_start3A_461 : memref<128xi32, #tpu.memory_space<vmem>>) semaphore(%arg13 : memref<!tpu.dma_semaphore, #tpu.memory_space<semaphore_mem>>)
        } else {
        }
        %ge3A_455 = arith.constant 10 : i32
        %ge3A_456 = arith.cmpi sge, %add3A_449, %ge3A_455 : i32
        %convert_element_type3A_457 = arith.extui %ge3A_456 : i1 to i32
        %cond3A_458 = arith.constant 0 : i32
        %cond3A_459 = arith.cmpi ne, %convert_element_type3A_457, %cond3A_458 : i32
        scf.if %cond3A_459 {
          %dma_start3A = arith.constant 0 : i32
          %dma_start3A_460 = tpu.memref_slice %arg6[%add3A_351, %dma_start3A] : memref<53x128xi32, #tpu.memory_space<vmem>> -> memref<1x128xi32, #tpu.memory_space<vmem>>
          %dma_start3A_461 = tpu.memref_squeeze %dma_start3A_460 : memref<1x128xi32, #tpu.memory_space<vmem>> -> memref<128xi32, #tpu.memory_space<vmem>>
          %dma_start3A_462 = arith.constant 0 : i32
          %dma_start3A_463 = arith.constant 0 : i32
          %dma_start3A_464 = tpu.memref_slice %arg3[%dma_start3A_462, %dma_start3A_463] : memref<100000x128xf32, #tpu.memory_space<hbm>> -> memref<100000x128xf32, #tpu.memory_space<hbm>>
          tpu.enqueue_indirect_dma source(%dma_start3A_464 : memref<100000x128xf32, #tpu.memory_space<hbm>>) target(%arg7 : memref<128x128xf32, #tpu.memory_space<vmem>>) offsets(%dma_start3A_461 : memref<128xi32, #tpu.memory_space<vmem>>) semaphore(%arg13 : memref<!tpu.dma_semaphore, #tpu.memory_space<semaphore_mem>>)
        } else {
        }
      } else {
      }
      %mul3A_357 = arith.constant 4 : i32
      %mul3A_358 = arith.muli %mul3A_357, %add3A_349 : i32
      %add3A_359 = arith.addi %select_n3A, %mul3A_358 : i32
      %lt3A_360 = arith.constant 10 : i32
      %lt3A_361 = arith.cmpi slt, %add3A_359, %lt3A_360 : i32
      %convert_element_type3A_362 = arith.extui %lt3A_361 : i1 to i32
      %cond3A_363 = arith.constant 0 : i32
      %cond3A_364 = arith.cmpi ne, %convert_element_type3A_362, %cond3A_363 : i32
      scf.if %cond3A_364 {
        %dma_wait3A_442 = arith.constant 0 : i32
        %dma_wait3A_443 = tpu.memref_slice %arg6[%add3A_349, %dma_wait3A_442] : memref<53x128xi32, #tpu.memory_space<vmem>> -> memref<1x128xi32, #tpu.memory_space<vmem>>
        %dma_wait3A_444 = tpu.memref_squeeze %dma_wait3A_443 : memref<1x128xi32, #tpu.memory_space<vmem>> -> memref<128xi32, #tpu.memory_space<vmem>>
        %dma_wait3A_445 = arith.constant 0 : i32
        %dma_wait3A_446 = arith.constant 0 : i32
        %dma_wait3A_447 = tpu.memref_slice %arg4[%dma_wait3A_445, %dma_wait3A_446] : memref<1280x128xf32, #tpu.memory_space<hbm>> -> memref<1280x128xf32, #tpu.memory_space<hbm>>
        tpu.wait_indirect_dma semaphore(%arg16 : memref<!tpu.dma_semaphore, #tpu.memory_space<semaphore_mem>>) src(%dma_wait3A_447 : memref<1280x128xf32, #tpu.memory_space<hbm>>) dst(%arg10 : memref<128x128xf32, #tpu.memory_space<vmem>>)
      } else {
      }
      %ge3A_365 = arith.constant 10 : i32
      %ge3A_366 = arith.cmpi sge, %add3A_359, %ge3A_365 : i32
      %convert_element_type3A_367 = arith.extui %ge3A_366 : i1 to i32
      %cond3A_368 = arith.constant 0 : i32
      %cond3A_369 = arith.cmpi ne, %convert_element_type3A_367, %cond3A_368 : i32
      scf.if %cond3A_369 {
        %dma_wait3A_442 = arith.constant 0 : i32
        %dma_wait3A_443 = tpu.memref_slice %arg6[%add3A_349, %dma_wait3A_442] : memref<53x128xi32, #tpu.memory_space<vmem>> -> memref<1x128xi32, #tpu.memory_space<vmem>>
        %dma_wait3A_444 = tpu.memref_squeeze %dma_wait3A_443 : memref<1x128xi32, #tpu.memory_space<vmem>> -> memref<128xi32, #tpu.memory_space<vmem>>
        %dma_wait3A_445 = arith.constant 0 : i32
        %dma_wait3A_446 = arith.constant 0 : i32
        %dma_wait3A_447 = tpu.memref_slice %arg3[%dma_wait3A_445, %dma_wait3A_446] : memref<100000x128xf32, #tpu.memory_space<hbm>> -> memref<100000x128xf32, #tpu.memory_space<hbm>>
        tpu.wait_indirect_dma semaphore(%arg16 : memref<!tpu.dma_semaphore, #tpu.memory_space<semaphore_mem>>) src(%dma_wait3A_447 : memref<100000x128xf32, #tpu.memory_space<hbm>>) dst(%arg10 : memref<128x128xf32, #tpu.memory_space<vmem>>)
      } else {
      }
      %mul3A_370 = arith.constant 4 : i32
      %mul3A_371 = arith.muli %mul3A_370, %add3A_349 : i32
      %add3A_372 = arith.addi %select_n3A, %mul3A_371 : i32
      %lt3A_373 = arith.constant 210 : i32
      %lt3A_374 = arith.cmpi slt, %add3A_372, %lt3A_373 : i32
      %convert_element_type3A_375 = arith.extui %lt3A_374 : i1 to i32
      %cond3A_376 = arith.constant 0 : i32
      %cond3A_377 = arith.cmpi ne, %convert_element_type3A_375, %cond3A_376 : i32
      scf.if %cond3A_377 {
        %dma_start3A = arith.constant 0 : i32
        %dma_start3A_442 = tpu.memref_slice %arg5[%add3A_372, %mul3A_32, %dma_start3A] : memref<210x1024x128xf32, #tpu.memory_space<hbm>> -> memref<1x128x128xf32, #tpu.memory_space<hbm>>
        %dma_start3A_443 = tpu.memref_squeeze %dma_start3A_442 : memref<1x128x128xf32, #tpu.memory_space<hbm>> -> memref<128x128xf32, #tpu.memory_space<hbm>>
        %dma_start3A_444 = arith.constant 0 : i32
        %dma_start3A_445 = tpu.memref_slice %arg5[%add3A_372, %mul3A_32, %dma_start3A_444] : memref<210x1024x128xf32, #tpu.memory_space<hbm>> -> memref<1x128x128xf32, #tpu.memory_space<hbm>>
        %dma_start3A_446 = tpu.memref_squeeze %dma_start3A_445 : memref<1x128x128xf32, #tpu.memory_space<hbm>> -> memref<128x128xf32, #tpu.memory_space<hbm>>
        tpu.enqueue_dma source(%arg10 : memref<128x128xf32, #tpu.memory_space<vmem>>) target(%dma_start3A_446 : memref<128x128xf32, #tpu.memory_space<hbm>>) target_semaphore(%arg22 : memref<!tpu.dma_semaphore, #tpu.memory_space<semaphore_mem>>)
      } else {
      }
      %mul3A_378 = arith.constant 6 : i32
      %mul3A_379 = arith.muli %mul3A_378, %scan3A_249 : i32
      %add3A_380 = arith.constant 4 : i32
      %add3A_381 = arith.addi %mul3A_379, %add3A_380 : i32
      %add3A_382 = arith.constant 3 : i32
      %add3A_383 = arith.addi %add3A_381, %add3A_382 : i32
      %lt3A_384 = arith.constant 53 : i32
      %lt3A_385 = arith.cmpi slt, %add3A_383, %lt3A_384 : i32
      %convert_element_type3A_386 = arith.extui %lt3A_385 : i1 to i32
      %cond3A_387 = arith.constant 0 : i32
      %cond3A_388 = arith.cmpi ne, %convert_element_type3A_386, %cond3A_387 : i32
      scf.if %cond3A_388 {
        %ge3A_442 = arith.constant 6 : i32
        %ge3A_443 = arith.cmpi sge, %add3A_383, %ge3A_442 : i32
        %convert_element_type3A_444 = arith.extui %ge3A_443 : i1 to i32
        %cond3A_445 = arith.constant 0 : i32
        %cond3A_446 = arith.cmpi ne, %convert_element_type3A_444, %cond3A_445 : i32
        scf.if %cond3A_446 {
          %dma_wait3A_460 = arith.constant 0 : i32
          %dma_wait3A_461 = arith.constant 0 : i32
          %dma_wait3A_462 = arith.constant 0 : i32
          %dma_wait3A_463 = tpu.memref_slice %arg5[%dma_wait3A_460, %dma_wait3A_461, %dma_wait3A_462] : memref<210x1024x128xf32, #tpu.memory_space<hbm>> -> memref<1x128x128xf32, #tpu.memory_space<hbm>>
          %dma_wait3A_464 = tpu.memref_squeeze %dma_wait3A_463 : memref<1x128x128xf32, #tpu.memory_space<hbm>> -> memref<128x128xf32, #tpu.memory_space<hbm>>
          %dma_wait3A_465 = arith.constant 0 : i32
          %dma_wait3A_466 = arith.constant 0 : i32
          %dma_wait3A_467 = tpu.memref_slice %arg5[%dma_wait3A_460, %dma_wait3A_465, %dma_wait3A_466] : memref<210x1024x128xf32, #tpu.memory_space<hbm>> -> memref<1x128x128xf32, #tpu.memory_space<hbm>>
          %dma_wait3A_468 = tpu.memref_squeeze %dma_wait3A_467 : memref<1x128x128xf32, #tpu.memory_space<hbm>> -> memref<128x128xf32, #tpu.memory_space<hbm>>
          tpu.wait_dma2 semaphore(%arg20 : memref<!tpu.dma_semaphore, #tpu.memory_space<semaphore_mem>>) src(%arg8 : memref<128x128xf32, #tpu.memory_space<vmem>>) dst(%dma_wait3A_468 : memref<128x128xf32, #tpu.memory_space<hbm>>)
        } else {
        }
        %mul3A_447 = arith.constant 4 : i32
        %mul3A_448 = arith.muli %mul3A_447, %add3A_383 : i32
        %add3A_449 = arith.addi %select_n3A, %mul3A_448 : i32
        %lt3A_450 = arith.constant 10 : i32
        %lt3A_451 = arith.cmpi slt, %add3A_449, %lt3A_450 : i32
        %convert_element_type3A_452 = arith.extui %lt3A_451 : i1 to i32
        %cond3A_453 = arith.constant 0 : i32
        %cond3A_454 = arith.cmpi ne, %convert_element_type3A_452, %cond3A_453 : i32
        scf.if %cond3A_454 {
          %dma_start3A = arith.constant 0 : i32
          %dma_start3A_460 = tpu.memref_slice %arg6[%add3A_383, %dma_start3A] : memref<53x128xi32, #tpu.memory_space<vmem>> -> memref<1x128xi32, #tpu.memory_space<vmem>>
          %dma_start3A_461 = tpu.memref_squeeze %dma_start3A_460 : memref<1x128xi32, #tpu.memory_space<vmem>> -> memref<128xi32, #tpu.memory_space<vmem>>
          %dma_start3A_462 = arith.constant 0 : i32
          %dma_start3A_463 = arith.constant 0 : i32
          %dma_start3A_464 = tpu.memref_slice %arg4[%dma_start3A_462, %dma_start3A_463] : memref<1280x128xf32, #tpu.memory_space<hbm>> -> memref<1280x128xf32, #tpu.memory_space<hbm>>
          tpu.enqueue_indirect_dma source(%dma_start3A_464 : memref<1280x128xf32, #tpu.memory_space<hbm>>) target(%arg8 : memref<128x128xf32, #tpu.memory_space<vmem>>) offsets(%dma_start3A_461 : memref<128xi32, #tpu.memory_space<vmem>>) semaphore(%arg14 : memref<!tpu.dma_semaphore, #tpu.memory_space<semaphore_mem>>)
        } else {
        }
        %ge3A_455 = arith.constant 10 : i32
        %ge3A_456 = arith.cmpi sge, %add3A_449, %ge3A_455 : i32
        %convert_element_type3A_457 = arith.extui %ge3A_456 : i1 to i32
        %cond3A_458 = arith.constant 0 : i32
        %cond3A_459 = arith.cmpi ne, %convert_element_type3A_457, %cond3A_458 : i32
        scf.if %cond3A_459 {
          %dma_start3A = arith.constant 0 : i32
          %dma_start3A_460 = tpu.memref_slice %arg6[%add3A_383, %dma_start3A] : memref<53x128xi32, #tpu.memory_space<vmem>> -> memref<1x128xi32, #tpu.memory_space<vmem>>
          %dma_start3A_461 = tpu.memref_squeeze %dma_start3A_460 : memref<1x128xi32, #tpu.memory_space<vmem>> -> memref<128xi32, #tpu.memory_space<vmem>>
          %dma_start3A_462 = arith.constant 0 : i32
          %dma_start3A_463 = arith.constant 0 : i32
          %dma_start3A_464 = tpu.memref_slice %arg3[%dma_start3A_462, %dma_start3A_463] : memref<100000x128xf32, #tpu.memory_space<hbm>> -> memref<100000x128xf32, #tpu.memory_space<hbm>>
          tpu.enqueue_indirect_dma source(%dma_start3A_464 : memref<100000x128xf32, #tpu.memory_space<hbm>>) target(%arg8 : memref<128x128xf32, #tpu.memory_space<vmem>>) offsets(%dma_start3A_461 : memref<128xi32, #tpu.memory_space<vmem>>) semaphore(%arg14 : memref<!tpu.dma_semaphore, #tpu.memory_space<semaphore_mem>>)
        } else {
        }
      } else {
      }
      %mul3A_389 = arith.constant 4 : i32
      %mul3A_390 = arith.muli %mul3A_389, %add3A_381 : i32
      %add3A_391 = arith.addi %select_n3A, %mul3A_390 : i32
      %lt3A_392 = arith.constant 10 : i32
      %lt3A_393 = arith.cmpi slt, %add3A_391, %lt3A_392 : i32
      %convert_element_type3A_394 = arith.extui %lt3A_393 : i1 to i32
      %cond3A_395 = arith.constant 0 : i32
      %cond3A_396 = arith.cmpi ne, %convert_element_type3A_394, %cond3A_395 : i32
      scf.if %cond3A_396 {
        %dma_wait3A_442 = arith.constant 0 : i32
        %dma_wait3A_443 = tpu.memref_slice %arg6[%add3A_381, %dma_wait3A_442] : memref<53x128xi32, #tpu.memory_space<vmem>> -> memref<1x128xi32, #tpu.memory_space<vmem>>
        %dma_wait3A_444 = tpu.memref_squeeze %dma_wait3A_443 : memref<1x128xi32, #tpu.memory_space<vmem>> -> memref<128xi32, #tpu.memory_space<vmem>>
        %dma_wait3A_445 = arith.constant 0 : i32
        %dma_wait3A_446 = arith.constant 0 : i32
        %dma_wait3A_447 = tpu.memref_slice %arg4[%dma_wait3A_445, %dma_wait3A_446] : memref<1280x128xf32, #tpu.memory_space<hbm>> -> memref<1280x128xf32, #tpu.memory_space<hbm>>
        tpu.wait_indirect_dma semaphore(%arg17 : memref<!tpu.dma_semaphore, #tpu.memory_space<semaphore_mem>>) src(%dma_wait3A_447 : memref<1280x128xf32, #tpu.memory_space<hbm>>) dst(%arg11 : memref<128x128xf32, #tpu.memory_space<vmem>>)
      } else {
      }
      %ge3A_397 = arith.constant 10 : i32
      %ge3A_398 = arith.cmpi sge, %add3A_391, %ge3A_397 : i32
      %convert_element_type3A_399 = arith.extui %ge3A_398 : i1 to i32
      %cond3A_400 = arith.constant 0 : i32
      %cond3A_401 = arith.cmpi ne, %convert_element_type3A_399, %cond3A_400 : i32
      scf.if %cond3A_401 {
        %dma_wait3A_442 = arith.constant 0 : i32
        %dma_wait3A_443 = tpu.memref_slice %arg6[%add3A_381, %dma_wait3A_442] : memref<53x128xi32, #tpu.memory_space<vmem>> -> memref<1x128xi32, #tpu.memory_space<vmem>>
        %dma_wait3A_444 = tpu.memref_squeeze %dma_wait3A_443 : memref<1x128xi32, #tpu.memory_space<vmem>> -> memref<128xi32, #tpu.memory_space<vmem>>
        %dma_wait3A_445 = arith.constant 0 : i32
        %dma_wait3A_446 = arith.constant 0 : i32
        %dma_wait3A_447 = tpu.memref_slice %arg3[%dma_wait3A_445, %dma_wait3A_446] : memref<100000x128xf32, #tpu.memory_space<hbm>> -> memref<100000x128xf32, #tpu.memory_space<hbm>>
        tpu.wait_indirect_dma semaphore(%arg17 : memref<!tpu.dma_semaphore, #tpu.memory_space<semaphore_mem>>) src(%dma_wait3A_447 : memref<100000x128xf32, #tpu.memory_space<hbm>>) dst(%arg11 : memref<128x128xf32, #tpu.memory_space<vmem>>)
      } else {
      }
      %mul3A_402 = arith.constant 4 : i32
      %mul3A_403 = arith.muli %mul3A_402, %add3A_381 : i32
      %add3A_404 = arith.addi %select_n3A, %mul3A_403 : i32
      %lt3A_405 = arith.constant 210 : i32
      %lt3A_406 = arith.cmpi slt, %add3A_404, %lt3A_405 : i32
      %convert_element_type3A_407 = arith.extui %lt3A_406 : i1 to i32
      %cond3A_408 = arith.constant 0 : i32
      %cond3A_409 = arith.cmpi ne, %convert_element_type3A_407, %cond3A_408 : i32
      scf.if %cond3A_409 {
        %dma_start3A = arith.constant 0 : i32
        %dma_start3A_442 = tpu.memref_slice %arg5[%add3A_404, %mul3A_32, %dma_start3A] : memref<210x1024x128xf32, #tpu.memory_space<hbm>> -> memref<1x128x128xf32, #tpu.memory_space<hbm>>
        %dma_start3A_443 = tpu.memref_squeeze %dma_start3A_442 : memref<1x128x128xf32, #tpu.memory_space<hbm>> -> memref<128x128xf32, #tpu.memory_space<hbm>>
        %dma_start3A_444 = arith.constant 0 : i32
        %dma_start3A_445 = tpu.memref_slice %arg5[%add3A_404, %mul3A_32, %dma_start3A_444] : memref<210x1024x128xf32, #tpu.memory_space<hbm>> -> memref<1x128x128xf32, #tpu.memory_space<hbm>>
        %dma_start3A_446 = tpu.memref_squeeze %dma_start3A_445 : memref<1x128x128xf32, #tpu.memory_space<hbm>> -> memref<128x128xf32, #tpu.memory_space<hbm>>
        tpu.enqueue_dma source(%arg11 : memref<128x128xf32, #tpu.memory_space<vmem>>) target(%dma_start3A_446 : memref<128x128xf32, #tpu.memory_space<hbm>>) target_semaphore(%arg23 : memref<!tpu.dma_semaphore, #tpu.memory_space<semaphore_mem>>)
      } else {
      }
      %mul3A_410 = arith.constant 6 : i32
      %mul3A_411 = arith.muli %mul3A_410, %scan3A_249 : i32
      %add3A_412 = arith.constant 5 : i32
      %add3A_413 = arith.addi %mul3A_411, %add3A_412 : i32
      %add3A_414 = arith.constant 3 : i32
      %add3A_415 = arith.addi %add3A_413, %add3A_414 : i32
      %lt3A_416 = arith.constant 53 : i32
      %lt3A_417 = arith.cmpi slt, %add3A_415, %lt3A_416 : i32
      %convert_element_type3A_418 = arith.extui %lt3A_417 : i1 to i32
      %cond3A_419 = arith.constant 0 : i32
      %cond3A_420 = arith.cmpi ne, %convert_element_type3A_418, %cond3A_419 : i32
      scf.if %cond3A_420 {
        %ge3A_442 = arith.constant 6 : i32
        %ge3A_443 = arith.cmpi sge, %add3A_415, %ge3A_442 : i32
        %convert_element_type3A_444 = arith.extui %ge3A_443 : i1 to i32
        %cond3A_445 = arith.constant 0 : i32
        %cond3A_446 = arith.cmpi ne, %convert_element_type3A_444, %cond3A_445 : i32
        scf.if %cond3A_446 {
          %dma_wait3A_460 = arith.constant 0 : i32
          %dma_wait3A_461 = arith.constant 0 : i32
          %dma_wait3A_462 = arith.constant 0 : i32
          %dma_wait3A_463 = tpu.memref_slice %arg5[%dma_wait3A_460, %dma_wait3A_461, %dma_wait3A_462] : memref<210x1024x128xf32, #tpu.memory_space<hbm>> -> memref<1x128x128xf32, #tpu.memory_space<hbm>>
          %dma_wait3A_464 = tpu.memref_squeeze %dma_wait3A_463 : memref<1x128x128xf32, #tpu.memory_space<hbm>> -> memref<128x128xf32, #tpu.memory_space<hbm>>
          %dma_wait3A_465 = arith.constant 0 : i32
          %dma_wait3A_466 = arith.constant 0 : i32
          %dma_wait3A_467 = tpu.memref_slice %arg5[%dma_wait3A_460, %dma_wait3A_465, %dma_wait3A_466] : memref<210x1024x128xf32, #tpu.memory_space<hbm>> -> memref<1x128x128xf32, #tpu.memory_space<hbm>>
          %dma_wait3A_468 = tpu.memref_squeeze %dma_wait3A_467 : memref<1x128x128xf32, #tpu.memory_space<hbm>> -> memref<128x128xf32, #tpu.memory_space<hbm>>
          tpu.wait_dma2 semaphore(%arg21 : memref<!tpu.dma_semaphore, #tpu.memory_space<semaphore_mem>>) src(%arg9 : memref<128x128xf32, #tpu.memory_space<vmem>>) dst(%dma_wait3A_468 : memref<128x128xf32, #tpu.memory_space<hbm>>)
        } else {
        }
        %mul3A_447 = arith.constant 4 : i32
        %mul3A_448 = arith.muli %mul3A_447, %add3A_415 : i32
        %add3A_449 = arith.addi %select_n3A, %mul3A_448 : i32
        %lt3A_450 = arith.constant 10 : i32
        %lt3A_451 = arith.cmpi slt, %add3A_449, %lt3A_450 : i32
        %convert_element_type3A_452 = arith.extui %lt3A_451 : i1 to i32
        %cond3A_453 = arith.constant 0 : i32
        %cond3A_454 = arith.cmpi ne, %convert_element_type3A_452, %cond3A_453 : i32
        scf.if %cond3A_454 {
          %dma_start3A = arith.constant 0 : i32
          %dma_start3A_460 = tpu.memref_slice %arg6[%add3A_415, %dma_start3A] : memref<53x128xi32, #tpu.memory_space<vmem>> -> memref<1x128xi32, #tpu.memory_space<vmem>>
          %dma_start3A_461 = tpu.memref_squeeze %dma_start3A_460 : memref<1x128xi32, #tpu.memory_space<vmem>> -> memref<128xi32, #tpu.memory_space<vmem>>
          %dma_start3A_462 = arith.constant 0 : i32
          %dma_start3A_463 = arith.constant 0 : i32
          %dma_start3A_464 = tpu.memref_slice %arg4[%dma_start3A_462, %dma_start3A_463] : memref<1280x128xf32, #tpu.memory_space<hbm>> -> memref<1280x128xf32, #tpu.memory_space<hbm>>
          tpu.enqueue_indirect_dma source(%dma_start3A_464 : memref<1280x128xf32, #tpu.memory_space<hbm>>) target(%arg9 : memref<128x128xf32, #tpu.memory_space<vmem>>) offsets(%dma_start3A_461 : memref<128xi32, #tpu.memory_space<vmem>>) semaphore(%arg15 : memref<!tpu.dma_semaphore, #tpu.memory_space<semaphore_mem>>)
        } else {
        }
        %ge3A_455 = arith.constant 10 : i32
        %ge3A_456 = arith.cmpi sge, %add3A_449, %ge3A_455 : i32
        %convert_element_type3A_457 = arith.extui %ge3A_456 : i1 to i32
        %cond3A_458 = arith.constant 0 : i32
        %cond3A_459 = arith.cmpi ne, %convert_element_type3A_457, %cond3A_458 : i32
        scf.if %cond3A_459 {
          %dma_start3A = arith.constant 0 : i32
          %dma_start3A_460 = tpu.memref_slice %arg6[%add3A_415, %dma_start3A] : memref<53x128xi32, #tpu.memory_space<vmem>> -> memref<1x128xi32, #tpu.memory_space<vmem>>
          %dma_start3A_461 = tpu.memref_squeeze %dma_start3A_460 : memref<1x128xi32, #tpu.memory_space<vmem>> -> memref<128xi32, #tpu.memory_space<vmem>>
          %dma_start3A_462 = arith.constant 0 : i32
          %dma_start3A_463 = arith.constant 0 : i32
          %dma_start3A_464 = tpu.memref_slice %arg3[%dma_start3A_462, %dma_start3A_463] : memref<100000x128xf32, #tpu.memory_space<hbm>> -> memref<100000x128xf32, #tpu.memory_space<hbm>>
          tpu.enqueue_indirect_dma source(%dma_start3A_464 : memref<100000x128xf32, #tpu.memory_space<hbm>>) target(%arg9 : memref<128x128xf32, #tpu.memory_space<vmem>>) offsets(%dma_start3A_461 : memref<128xi32, #tpu.memory_space<vmem>>) semaphore(%arg15 : memref<!tpu.dma_semaphore, #tpu.memory_space<semaphore_mem>>)
        } else {
        }
      } else {
      }
      %mul3A_421 = arith.constant 4 : i32
      %mul3A_422 = arith.muli %mul3A_421, %add3A_413 : i32
      %add3A_423 = arith.addi %select_n3A, %mul3A_422 : i32
      %lt3A_424 = arith.constant 10 : i32
      %lt3A_425 = arith.cmpi slt, %add3A_423, %lt3A_424 : i32
      %convert_element_type3A_426 = arith.extui %lt3A_425 : i1 to i32
      %cond3A_427 = arith.constant 0 : i32
      %cond3A_428 = arith.cmpi ne, %convert_element_type3A_426, %cond3A_427 : i32
      scf.if %cond3A_428 {
        %dma_wait3A_442 = arith.constant 0 : i32
        %dma_wait3A_443 = tpu.memref_slice %arg6[%add3A_413, %dma_wait3A_442] : memref<53x128xi32, #tpu.memory_space<vmem>> -> memref<1x128xi32, #tpu.memory_space<vmem>>
        %dma_wait3A_444 = tpu.memref_squeeze %dma_wait3A_443 : memref<1x128xi32, #tpu.memory_space<vmem>> -> memref<128xi32, #tpu.memory_space<vmem>>
        %dma_wait3A_445 = arith.constant 0 : i32
        %dma_wait3A_446 = arith.constant 0 : i32
        %dma_wait3A_447 = tpu.memref_slice %arg4[%dma_wait3A_445, %dma_wait3A_446] : memref<1280x128xf32, #tpu.memory_space<hbm>> -> memref<1280x128xf32, #tpu.memory_space<hbm>>
        tpu.wait_indirect_dma semaphore(%arg18 : memref<!tpu.dma_semaphore, #tpu.memory_space<semaphore_mem>>) src(%dma_wait3A_447 : memref<1280x128xf32, #tpu.memory_space<hbm>>) dst(%arg12 : memref<128x128xf32, #tpu.memory_space<vmem>>)
      } else {
      }
      %ge3A_429 = arith.constant 10 : i32
      %ge3A_430 = arith.cmpi sge, %add3A_423, %ge3A_429 : i32
      %convert_element_type3A_431 = arith.extui %ge3A_430 : i1 to i32
      %cond3A_432 = arith.constant 0 : i32
      %cond3A_433 = arith.cmpi ne, %convert_element_type3A_431, %cond3A_432 : i32
      scf.if %cond3A_433 {
        %dma_wait3A_442 = arith.constant 0 : i32
        %dma_wait3A_443 = tpu.memref_slice %arg6[%add3A_413, %dma_wait3A_442] : memref<53x128xi32, #tpu.memory_space<vmem>> -> memref<1x128xi32, #tpu.memory_space<vmem>>
        %dma_wait3A_444 = tpu.memref_squeeze %dma_wait3A_443 : memref<1x128xi32, #tpu.memory_space<vmem>> -> memref<128xi32, #tpu.memory_space<vmem>>
        %dma_wait3A_445 = arith.constant 0 : i32
        %dma_wait3A_446 = arith.constant 0 : i32
        %dma_wait3A_447 = tpu.memref_slice %arg3[%dma_wait3A_445, %dma_wait3A_446] : memref<100000x128xf32, #tpu.memory_space<hbm>> -> memref<100000x128xf32, #tpu.memory_space<hbm>>
        tpu.wait_indirect_dma semaphore(%arg18 : memref<!tpu.dma_semaphore, #tpu.memory_space<semaphore_mem>>) src(%dma_wait3A_447 : memref<100000x128xf32, #tpu.memory_space<hbm>>) dst(%arg12 : memref<128x128xf32, #tpu.memory_space<vmem>>)
      } else {
      }
      %mul3A_434 = arith.constant 4 : i32
      %mul3A_435 = arith.muli %mul3A_434, %add3A_413 : i32
      %add3A_436 = arith.addi %select_n3A, %mul3A_435 : i32
      %lt3A_437 = arith.constant 210 : i32
      %lt3A_438 = arith.cmpi slt, %add3A_436, %lt3A_437 : i32
      %convert_element_type3A_439 = arith.extui %lt3A_438 : i1 to i32
      %cond3A_440 = arith.constant 0 : i32
      %cond3A_441 = arith.cmpi ne, %convert_element_type3A_439, %cond3A_440 : i32
      scf.if %cond3A_441 {
        %dma_start3A = arith.constant 0 : i32
        %dma_start3A_442 = tpu.memref_slice %arg5[%add3A_436, %mul3A_32, %dma_start3A] : memref<210x1024x128xf32, #tpu.memory_space<hbm>> -> memref<1x128x128xf32, #tpu.memory_space<hbm>>
        %dma_start3A_443 = tpu.memref_squeeze %dma_start3A_442 : memref<1x128x128xf32, #tpu.memory_space<hbm>> -> memref<128x128xf32, #tpu.memory_space<hbm>>
        %dma_start3A_444 = arith.constant 0 : i32
        %dma_start3A_445 = tpu.memref_slice %arg5[%add3A_436, %mul3A_32, %dma_start3A_444] : memref<210x1024x128xf32, #tpu.memory_space<hbm>> -> memref<1x128x128xf32, #tpu.memory_space<hbm>>
        %dma_start3A_446 = tpu.memref_squeeze %dma_start3A_445 : memref<1x128x128xf32, #tpu.memory_space<hbm>> -> memref<128x128xf32, #tpu.memory_space<hbm>>
        tpu.enqueue_dma source(%arg12 : memref<128x128xf32, #tpu.memory_space<vmem>>) target(%dma_start3A_446 : memref<128x128xf32, #tpu.memory_space<hbm>>) target_semaphore(%arg24 : memref<!tpu.dma_semaphore, #tpu.memory_space<semaphore_mem>>)
      } else {
      }
    }
    %scan3A_70 = arith.constant 8 : i32
    %dma_wait3A = arith.constant 0 : i32
    %dma_wait3A_71 = arith.constant 0 : i32
    %dma_wait3A_72 = arith.constant 0 : i32
    %dma_wait3A_73 = tpu.memref_slice %arg5[%dma_wait3A, %dma_wait3A_71, %dma_wait3A_72] : memref<210x1024x128xf32, #tpu.memory_space<hbm>> -> memref<1x128x128xf32, #tpu.memory_space<hbm>>
    %dma_wait3A_74 = tpu.memref_squeeze %dma_wait3A_73 : memref<1x128x128xf32, #tpu.memory_space<hbm>> -> memref<128x128xf32, #tpu.memory_space<hbm>>
    %dma_wait3A_75 = arith.constant 0 : i32
    %dma_wait3A_76 = arith.constant 0 : i32
    %dma_wait3A_77 = tpu.memref_slice %arg5[%dma_wait3A, %dma_wait3A_75, %dma_wait3A_76] : memref<210x1024x128xf32, #tpu.memory_space<hbm>> -> memref<1x128x128xf32, #tpu.memory_space<hbm>>
    %dma_wait3A_78 = tpu.memref_squeeze %dma_wait3A_77 : memref<1x128x128xf32, #tpu.memory_space<hbm>> -> memref<128x128xf32, #tpu.memory_space<hbm>>
    tpu.wait_dma2 semaphore(%arg22 : memref<!tpu.dma_semaphore, #tpu.memory_space<semaphore_mem>>) src(%arg10 : memref<128x128xf32, #tpu.memory_space<vmem>>) dst(%dma_wait3A_78 : memref<128x128xf32, #tpu.memory_space<hbm>>)
    %add3A_79 = arith.constant 204 : i32
    %add3A_80 = arith.addi %select_n3A, %add3A_79 : i32
    %lt3A_81 = arith.constant 10 : i32
    %lt3A_82 = arith.cmpi slt, %add3A_80, %lt3A_81 : i32
    %convert_element_type3A_83 = arith.extui %lt3A_82 : i1 to i32
    %cond3A_84 = arith.constant 0 : i32
    %cond3A_85 = arith.cmpi ne, %convert_element_type3A_83, %cond3A_84 : i32
    scf.if %cond3A_85 {
      %dma_start3A = arith.constant 51 : i32
      %dma_start3A_249 = arith.constant 0 : i32
      %dma_start3A_250 = tpu.memref_slice %arg6[%dma_start3A, %dma_start3A_249] : memref<53x128xi32, #tpu.memory_space<vmem>> -> memref<1x128xi32, #tpu.memory_space<vmem>>
      %dma_start3A_251 = tpu.memref_squeeze %dma_start3A_250 : memref<1x128xi32, #tpu.memory_space<vmem>> -> memref<128xi32, #tpu.memory_space<vmem>>
      %dma_start3A_252 = arith.constant 0 : i32
      %dma_start3A_253 = arith.constant 0 : i32
      %dma_start3A_254 = tpu.memref_slice %arg4[%dma_start3A_252, %dma_start3A_253] : memref<1280x128xf32, #tpu.memory_space<hbm>> -> memref<1280x128xf32, #tpu.memory_space<hbm>>
      tpu.enqueue_indirect_dma source(%dma_start3A_254 : memref<1280x128xf32, #tpu.memory_space<hbm>>) target(%arg10 : memref<128x128xf32, #tpu.memory_space<vmem>>) offsets(%dma_start3A_251 : memref<128xi32, #tpu.memory_space<vmem>>) semaphore(%arg16 : memref<!tpu.dma_semaphore, #tpu.memory_space<semaphore_mem>>)
    } else {
    }
    %ge3A_86 = arith.constant 10 : i32
    %ge3A_87 = arith.cmpi sge, %add3A_80, %ge3A_86 : i32
    %convert_element_type3A_88 = arith.extui %ge3A_87 : i1 to i32
    %cond3A_89 = arith.constant 0 : i32
    %cond3A_90 = arith.cmpi ne, %convert_element_type3A_88, %cond3A_89 : i32
    scf.if %cond3A_90 {
      %dma_start3A = arith.constant 51 : i32
      %dma_start3A_249 = arith.constant 0 : i32
      %dma_start3A_250 = tpu.memref_slice %arg6[%dma_start3A, %dma_start3A_249] : memref<53x128xi32, #tpu.memory_space<vmem>> -> memref<1x128xi32, #tpu.memory_space<vmem>>
      %dma_start3A_251 = tpu.memref_squeeze %dma_start3A_250 : memref<1x128xi32, #tpu.memory_space<vmem>> -> memref<128xi32, #tpu.memory_space<vmem>>
      %dma_start3A_252 = arith.constant 0 : i32
      %dma_start3A_253 = arith.constant 0 : i32
      %dma_start3A_254 = tpu.memref_slice %arg3[%dma_start3A_252, %dma_start3A_253] : memref<100000x128xf32, #tpu.memory_space<hbm>> -> memref<100000x128xf32, #tpu.memory_space<hbm>>
      tpu.enqueue_indirect_dma source(%dma_start3A_254 : memref<100000x128xf32, #tpu.memory_space<hbm>>) target(%arg10 : memref<128x128xf32, #tpu.memory_space<vmem>>) offsets(%dma_start3A_251 : memref<128xi32, #tpu.memory_space<vmem>>) semaphore(%arg16 : memref<!tpu.dma_semaphore, #tpu.memory_space<semaphore_mem>>)
    } else {
    }
    %add3A_91 = arith.constant 192 : i32
    %add3A_92 = arith.addi %select_n3A, %add3A_91 : i32
    %lt3A_93 = arith.constant 10 : i32
    %lt3A_94 = arith.cmpi slt, %add3A_92, %lt3A_93 : i32
    %convert_element_type3A_95 = arith.extui %lt3A_94 : i1 to i32
    %cond3A_96 = arith.constant 0 : i32
    %cond3A_97 = arith.cmpi ne, %convert_element_type3A_95, %cond3A_96 : i32
    scf.if %cond3A_97 {
      %dma_wait3A_249 = arith.constant 48 : i32
      %dma_wait3A_250 = arith.constant 0 : i32
      %dma_wait3A_251 = tpu.memref_slice %arg6[%dma_wait3A_249, %dma_wait3A_250] : memref<53x128xi32, #tpu.memory_space<vmem>> -> memref<1x128xi32, #tpu.memory_space<vmem>>
      %dma_wait3A_252 = tpu.memref_squeeze %dma_wait3A_251 : memref<1x128xi32, #tpu.memory_space<vmem>> -> memref<128xi32, #tpu.memory_space<vmem>>
      %dma_wait3A_253 = arith.constant 0 : i32
      %dma_wait3A_254 = arith.constant 0 : i32
      %dma_wait3A_255 = tpu.memref_slice %arg4[%dma_wait3A_253, %dma_wait3A_254] : memref<1280x128xf32, #tpu.memory_space<hbm>> -> memref<1280x128xf32, #tpu.memory_space<hbm>>
      tpu.wait_indirect_dma semaphore(%arg13 : memref<!tpu.dma_semaphore, #tpu.memory_space<semaphore_mem>>) src(%dma_wait3A_255 : memref<1280x128xf32, #tpu.memory_space<hbm>>) dst(%arg7 : memref<128x128xf32, #tpu.memory_space<vmem>>)
    } else {
    }
    %ge3A_98 = arith.constant 10 : i32
    %ge3A_99 = arith.cmpi sge, %add3A_92, %ge3A_98 : i32
    %convert_element_type3A_100 = arith.extui %ge3A_99 : i1 to i32
    %cond3A_101 = arith.constant 0 : i32
    %cond3A_102 = arith.cmpi ne, %convert_element_type3A_100, %cond3A_101 : i32
    scf.if %cond3A_102 {
      %dma_wait3A_249 = arith.constant 48 : i32
      %dma_wait3A_250 = arith.constant 0 : i32
      %dma_wait3A_251 = tpu.memref_slice %arg6[%dma_wait3A_249, %dma_wait3A_250] : memref<53x128xi32, #tpu.memory_space<vmem>> -> memref<1x128xi32, #tpu.memory_space<vmem>>
      %dma_wait3A_252 = tpu.memref_squeeze %dma_wait3A_251 : memref<1x128xi32, #tpu.memory_space<vmem>> -> memref<128xi32, #tpu.memory_space<vmem>>
      %dma_wait3A_253 = arith.constant 0 : i32
      %dma_wait3A_254 = arith.constant 0 : i32
      %dma_wait3A_255 = tpu.memref_slice %arg3[%dma_wait3A_253, %dma_wait3A_254] : memref<100000x128xf32, #tpu.memory_space<hbm>> -> memref<100000x128xf32, #tpu.memory_space<hbm>>
      tpu.wait_indirect_dma semaphore(%arg13 : memref<!tpu.dma_semaphore, #tpu.memory_space<semaphore_mem>>) src(%dma_wait3A_255 : memref<100000x128xf32, #tpu.memory_space<hbm>>) dst(%arg7 : memref<128x128xf32, #tpu.memory_space<vmem>>)
    } else {
    }
    %add3A_103 = arith.constant 192 : i32
    %add3A_104 = arith.addi %select_n3A, %add3A_103 : i32
    %lt3A_105 = arith.constant 210 : i32
    %lt3A_106 = arith.cmpi slt, %add3A_104, %lt3A_105 : i32
    %convert_element_type3A_107 = arith.extui %lt3A_106 : i1 to i32
    %cond3A_108 = arith.constant 0 : i32
    %cond3A_109 = arith.cmpi ne, %convert_element_type3A_107, %cond3A_108 : i32
    scf.if %cond3A_109 {
      %dma_start3A = arith.constant 0 : i32
      %dma_start3A_249 = tpu.memref_slice %arg5[%add3A_104, %mul3A_32, %dma_start3A] : memref<210x1024x128xf32, #tpu.memory_space<hbm>> -> memref<1x128x128xf32, #tpu.memory_space<hbm>>
      %dma_start3A_250 = tpu.memref_squeeze %dma_start3A_249 : memref<1x128x128xf32, #tpu.memory_space<hbm>> -> memref<128x128xf32, #tpu.memory_space<hbm>>
      %dma_start3A_251 = arith.constant 0 : i32
      %dma_start3A_252 = tpu.memref_slice %arg5[%add3A_104, %mul3A_32, %dma_start3A_251] : memref<210x1024x128xf32, #tpu.memory_space<hbm>> -> memref<1x128x128xf32, #tpu.memory_space<hbm>>
      %dma_start3A_253 = tpu.memref_squeeze %dma_start3A_252 : memref<1x128x128xf32, #tpu.memory_space<hbm>> -> memref<128x128xf32, #tpu.memory_space<hbm>>
      tpu.enqueue_dma source(%arg7 : memref<128x128xf32, #tpu.memory_space<vmem>>) target(%dma_start3A_253 : memref<128x128xf32, #tpu.memory_space<hbm>>) target_semaphore(%arg19 : memref<!tpu.dma_semaphore, #tpu.memory_space<semaphore_mem>>)
    } else {
    }
    %dma_wait3A_110 = arith.constant 0 : i32
    %dma_wait3A_111 = arith.constant 0 : i32
    %dma_wait3A_112 = arith.constant 0 : i32
    %dma_wait3A_113 = tpu.memref_slice %arg5[%dma_wait3A_110, %dma_wait3A_111, %dma_wait3A_112] : memref<210x1024x128xf32, #tpu.memory_space<hbm>> -> memref<1x128x128xf32, #tpu.memory_space<hbm>>
    %dma_wait3A_114 = tpu.memref_squeeze %dma_wait3A_113 : memref<1x128x128xf32, #tpu.memory_space<hbm>> -> memref<128x128xf32, #tpu.memory_space<hbm>>
    %dma_wait3A_115 = arith.constant 0 : i32
    %dma_wait3A_116 = arith.constant 0 : i32
    %dma_wait3A_117 = tpu.memref_slice %arg5[%dma_wait3A_110, %dma_wait3A_115, %dma_wait3A_116] : memref<210x1024x128xf32, #tpu.memory_space<hbm>> -> memref<1x128x128xf32, #tpu.memory_space<hbm>>
    %dma_wait3A_118 = tpu.memref_squeeze %dma_wait3A_117 : memref<1x128x128xf32, #tpu.memory_space<hbm>> -> memref<128x128xf32, #tpu.memory_space<hbm>>
    tpu.wait_dma2 semaphore(%arg23 : memref<!tpu.dma_semaphore, #tpu.memory_space<semaphore_mem>>) src(%arg11 : memref<128x128xf32, #tpu.memory_space<vmem>>) dst(%dma_wait3A_118 : memref<128x128xf32, #tpu.memory_space<hbm>>)
    %add3A_119 = arith.constant 208 : i32
    %add3A_120 = arith.addi %select_n3A, %add3A_119 : i32
    %lt3A_121 = arith.constant 10 : i32
    %lt3A_122 = arith.cmpi slt, %add3A_120, %lt3A_121 : i32
    %convert_element_type3A_123 = arith.extui %lt3A_122 : i1 to i32
    %cond3A_124 = arith.constant 0 : i32
    %cond3A_125 = arith.cmpi ne, %convert_element_type3A_123, %cond3A_124 : i32
    scf.if %cond3A_125 {
      %dma_start3A = arith.constant 52 : i32
      %dma_start3A_249 = arith.constant 0 : i32
      %dma_start3A_250 = tpu.memref_slice %arg6[%dma_start3A, %dma_start3A_249] : memref<53x128xi32, #tpu.memory_space<vmem>> -> memref<1x128xi32, #tpu.memory_space<vmem>>
      %dma_start3A_251 = tpu.memref_squeeze %dma_start3A_250 : memref<1x128xi32, #tpu.memory_space<vmem>> -> memref<128xi32, #tpu.memory_space<vmem>>
      %dma_start3A_252 = arith.constant 0 : i32
      %dma_start3A_253 = arith.constant 0 : i32
      %dma_start3A_254 = tpu.memref_slice %arg4[%dma_start3A_252, %dma_start3A_253] : memref<1280x128xf32, #tpu.memory_space<hbm>> -> memref<1280x128xf32, #tpu.memory_space<hbm>>
      tpu.enqueue_indirect_dma source(%dma_start3A_254 : memref<1280x128xf32, #tpu.memory_space<hbm>>) target(%arg11 : memref<128x128xf32, #tpu.memory_space<vmem>>) offsets(%dma_start3A_251 : memref<128xi32, #tpu.memory_space<vmem>>) semaphore(%arg17 : memref<!tpu.dma_semaphore, #tpu.memory_space<semaphore_mem>>)
    } else {
    }
    %ge3A_126 = arith.constant 10 : i32
    %ge3A_127 = arith.cmpi sge, %add3A_120, %ge3A_126 : i32
    %convert_element_type3A_128 = arith.extui %ge3A_127 : i1 to i32
    %cond3A_129 = arith.constant 0 : i32
    %cond3A_130 = arith.cmpi ne, %convert_element_type3A_128, %cond3A_129 : i32
    scf.if %cond3A_130 {
      %dma_start3A = arith.constant 52 : i32
      %dma_start3A_249 = arith.constant 0 : i32
      %dma_start3A_250 = tpu.memref_slice %arg6[%dma_start3A, %dma_start3A_249] : memref<53x128xi32, #tpu.memory_space<vmem>> -> memref<1x128xi32, #tpu.memory_space<vmem>>
      %dma_start3A_251 = tpu.memref_squeeze %dma_start3A_250 : memref<1x128xi32, #tpu.memory_space<vmem>> -> memref<128xi32, #tpu.memory_space<vmem>>
      %dma_start3A_252 = arith.constant 0 : i32
      %dma_start3A_253 = arith.constant 0 : i32
      %dma_start3A_254 = tpu.memref_slice %arg3[%dma_start3A_252, %dma_start3A_253] : memref<100000x128xf32, #tpu.memory_space<hbm>> -> memref<100000x128xf32, #tpu.memory_space<hbm>>
      tpu.enqueue_indirect_dma source(%dma_start3A_254 : memref<100000x128xf32, #tpu.memory_space<hbm>>) target(%arg11 : memref<128x128xf32, #tpu.memory_space<vmem>>) offsets(%dma_start3A_251 : memref<128xi32, #tpu.memory_space<vmem>>) semaphore(%arg17 : memref<!tpu.dma_semaphore, #tpu.memory_space<semaphore_mem>>)
    } else {
    }
    %add3A_131 = arith.constant 196 : i32
    %add3A_132 = arith.addi %select_n3A, %add3A_131 : i32
    %lt3A_133 = arith.constant 10 : i32
    %lt3A_134 = arith.cmpi slt, %add3A_132, %lt3A_133 : i32
    %convert_element_type3A_135 = arith.extui %lt3A_134 : i1 to i32
    %cond3A_136 = arith.constant 0 : i32
    %cond3A_137 = arith.cmpi ne, %convert_element_type3A_135, %cond3A_136 : i32
    scf.if %cond3A_137 {
      %dma_wait3A_249 = arith.constant 49 : i32
      %dma_wait3A_250 = arith.constant 0 : i32
      %dma_wait3A_251 = tpu.memref_slice %arg6[%dma_wait3A_249, %dma_wait3A_250] : memref<53x128xi32, #tpu.memory_space<vmem>> -> memref<1x128xi32, #tpu.memory_space<vmem>>
      %dma_wait3A_252 = tpu.memref_squeeze %dma_wait3A_251 : memref<1x128xi32, #tpu.memory_space<vmem>> -> memref<128xi32, #tpu.memory_space<vmem>>
      %dma_wait3A_253 = arith.constant 0 : i32
      %dma_wait3A_254 = arith.constant 0 : i32
      %dma_wait3A_255 = tpu.memref_slice %arg4[%dma_wait3A_253, %dma_wait3A_254] : memref<1280x128xf32, #tpu.memory_space<hbm>> -> memref<1280x128xf32, #tpu.memory_space<hbm>>
      tpu.wait_indirect_dma semaphore(%arg14 : memref<!tpu.dma_semaphore, #tpu.memory_space<semaphore_mem>>) src(%dma_wait3A_255 : memref<1280x128xf32, #tpu.memory_space<hbm>>) dst(%arg8 : memref<128x128xf32, #tpu.memory_space<vmem>>)
    } else {
    }
    %ge3A_138 = arith.constant 10 : i32
    %ge3A_139 = arith.cmpi sge, %add3A_132, %ge3A_138 : i32
    %convert_element_type3A_140 = arith.extui %ge3A_139 : i1 to i32
    %cond3A_141 = arith.constant 0 : i32
    %cond3A_142 = arith.cmpi ne, %convert_element_type3A_140, %cond3A_141 : i32
    scf.if %cond3A_142 {
      %dma_wait3A_249 = arith.constant 49 : i32
      %dma_wait3A_250 = arith.constant 0 : i32
      %dma_wait3A_251 = tpu.memref_slice %arg6[%dma_wait3A_249, %dma_wait3A_250] : memref<53x128xi32, #tpu.memory_space<vmem>> -> memref<1x128xi32, #tpu.memory_space<vmem>>
      %dma_wait3A_252 = tpu.memref_squeeze %dma_wait3A_251 : memref<1x128xi32, #tpu.memory_space<vmem>> -> memref<128xi32, #tpu.memory_space<vmem>>
      %dma_wait3A_253 = arith.constant 0 : i32
      %dma_wait3A_254 = arith.constant 0 : i32
      %dma_wait3A_255 = tpu.memref_slice %arg3[%dma_wait3A_253, %dma_wait3A_254] : memref<100000x128xf32, #tpu.memory_space<hbm>> -> memref<100000x128xf32, #tpu.memory_space<hbm>>
      tpu.wait_indirect_dma semaphore(%arg14 : memref<!tpu.dma_semaphore, #tpu.memory_space<semaphore_mem>>) src(%dma_wait3A_255 : memref<100000x128xf32, #tpu.memory_space<hbm>>) dst(%arg8 : memref<128x128xf32, #tpu.memory_space<vmem>>)
    } else {
    }
    %add3A_143 = arith.constant 196 : i32
    %add3A_144 = arith.addi %select_n3A, %add3A_143 : i32
    %lt3A_145 = arith.constant 210 : i32
    %lt3A_146 = arith.cmpi slt, %add3A_144, %lt3A_145 : i32
    %convert_element_type3A_147 = arith.extui %lt3A_146 : i1 to i32
    %cond3A_148 = arith.constant 0 : i32
    %cond3A_149 = arith.cmpi ne, %convert_element_type3A_147, %cond3A_148 : i32
    scf.if %cond3A_149 {
      %dma_start3A = arith.constant 0 : i32
      %dma_start3A_249 = tpu.memref_slice %arg5[%add3A_144, %mul3A_32, %dma_start3A] : memref<210x1024x128xf32, #tpu.memory_space<hbm>> -> memref<1x128x128xf32, #tpu.memory_space<hbm>>
      %dma_start3A_250 = tpu.memref_squeeze %dma_start3A_249 : memref<1x128x128xf32, #tpu.memory_space<hbm>> -> memref<128x128xf32, #tpu.memory_space<hbm>>
      %dma_start3A_251 = arith.constant 0 : i32
      %dma_start3A_252 = tpu.memref_slice %arg5[%add3A_144, %mul3A_32, %dma_start3A_251] : memref<210x1024x128xf32, #tpu.memory_space<hbm>> -> memref<1x128x128xf32, #tpu.memory_space<hbm>>
      %dma_start3A_253 = tpu.memref_squeeze %dma_start3A_252 : memref<1x128x128xf32, #tpu.memory_space<hbm>> -> memref<128x128xf32, #tpu.memory_space<hbm>>
      tpu.enqueue_dma source(%arg8 : memref<128x128xf32, #tpu.memory_space<vmem>>) target(%dma_start3A_253 : memref<128x128xf32, #tpu.memory_space<hbm>>) target_semaphore(%arg20 : memref<!tpu.dma_semaphore, #tpu.memory_space<semaphore_mem>>)
    } else {
    }
    %add3A_150 = arith.constant 200 : i32
    %add3A_151 = arith.addi %select_n3A, %add3A_150 : i32
    %lt3A_152 = arith.constant 10 : i32
    %lt3A_153 = arith.cmpi slt, %add3A_151, %lt3A_152 : i32
    %convert_element_type3A_154 = arith.extui %lt3A_153 : i1 to i32
    %cond3A_155 = arith.constant 0 : i32
    %cond3A_156 = arith.cmpi ne, %convert_element_type3A_154, %cond3A_155 : i32
    scf.if %cond3A_156 {
      %dma_wait3A_249 = arith.constant 50 : i32
      %dma_wait3A_250 = arith.constant 0 : i32
      %dma_wait3A_251 = tpu.memref_slice %arg6[%dma_wait3A_249, %dma_wait3A_250] : memref<53x128xi32, #tpu.memory_space<vmem>> -> memref<1x128xi32, #tpu.memory_space<vmem>>
      %dma_wait3A_252 = tpu.memref_squeeze %dma_wait3A_251 : memref<1x128xi32, #tpu.memory_space<vmem>> -> memref<128xi32, #tpu.memory_space<vmem>>
      %dma_wait3A_253 = arith.constant 0 : i32
      %dma_wait3A_254 = arith.constant 0 : i32
      %dma_wait3A_255 = tpu.memref_slice %arg4[%dma_wait3A_253, %dma_wait3A_254] : memref<1280x128xf32, #tpu.memory_space<hbm>> -> memref<1280x128xf32, #tpu.memory_space<hbm>>
      tpu.wait_indirect_dma semaphore(%arg15 : memref<!tpu.dma_semaphore, #tpu.memory_space<semaphore_mem>>) src(%dma_wait3A_255 : memref<1280x128xf32, #tpu.memory_space<hbm>>) dst(%arg9 : memref<128x128xf32, #tpu.memory_space<vmem>>)
    } else {
    }
    %ge3A_157 = arith.constant 10 : i32
    %ge3A_158 = arith.cmpi sge, %add3A_151, %ge3A_157 : i32
    %convert_element_type3A_159 = arith.extui %ge3A_158 : i1 to i32
    %cond3A_160 = arith.constant 0 : i32
    %cond3A_161 = arith.cmpi ne, %convert_element_type3A_159, %cond3A_160 : i32
    scf.if %cond3A_161 {
      %dma_wait3A_249 = arith.constant 50 : i32
      %dma_wait3A_250 = arith.constant 0 : i32
      %dma_wait3A_251 = tpu.memref_slice %arg6[%dma_wait3A_249, %dma_wait3A_250] : memref<53x128xi32, #tpu.memory_space<vmem>> -> memref<1x128xi32, #tpu.memory_space<vmem>>
      %dma_wait3A_252 = tpu.memref_squeeze %dma_wait3A_251 : memref<1x128xi32, #tpu.memory_space<vmem>> -> memref<128xi32, #tpu.memory_space<vmem>>
      %dma_wait3A_253 = arith.constant 0 : i32
      %dma_wait3A_254 = arith.constant 0 : i32
      %dma_wait3A_255 = tpu.memref_slice %arg3[%dma_wait3A_253, %dma_wait3A_254] : memref<100000x128xf32, #tpu.memory_space<hbm>> -> memref<100000x128xf32, #tpu.memory_space<hbm>>
      tpu.wait_indirect_dma semaphore(%arg15 : memref<!tpu.dma_semaphore, #tpu.memory_space<semaphore_mem>>) src(%dma_wait3A_255 : memref<100000x128xf32, #tpu.memory_space<hbm>>) dst(%arg9 : memref<128x128xf32, #tpu.memory_space<vmem>>)
    } else {
    }
    %add3A_162 = arith.constant 200 : i32
    %add3A_163 = arith.addi %select_n3A, %add3A_162 : i32
    %lt3A_164 = arith.constant 210 : i32
    %lt3A_165 = arith.cmpi slt, %add3A_163, %lt3A_164 : i32
    %convert_element_type3A_166 = arith.extui %lt3A_165 : i1 to i32
    %cond3A_167 = arith.constant 0 : i32
    %cond3A_168 = arith.cmpi ne, %convert_element_type3A_166, %cond3A_167 : i32
    scf.if %cond3A_168 {
      %dma_start3A = arith.constant 0 : i32
      %dma_start3A_249 = tpu.memref_slice %arg5[%add3A_163, %mul3A_32, %dma_start3A] : memref<210x1024x128xf32, #tpu.memory_space<hbm>> -> memref<1x128x128xf32, #tpu.memory_space<hbm>>
      %dma_start3A_250 = tpu.memref_squeeze %dma_start3A_249 : memref<1x128x128xf32, #tpu.memory_space<hbm>> -> memref<128x128xf32, #tpu.memory_space<hbm>>
      %dma_start3A_251 = arith.constant 0 : i32
      %dma_start3A_252 = tpu.memref_slice %arg5[%add3A_163, %mul3A_32, %dma_start3A_251] : memref<210x1024x128xf32, #tpu.memory_space<hbm>> -> memref<1x128x128xf32, #tpu.memory_space<hbm>>
      %dma_start3A_253 = tpu.memref_squeeze %dma_start3A_252 : memref<1x128x128xf32, #tpu.memory_space<hbm>> -> memref<128x128xf32, #tpu.memory_space<hbm>>
      tpu.enqueue_dma source(%arg9 : memref<128x128xf32, #tpu.memory_space<vmem>>) target(%dma_start3A_253 : memref<128x128xf32, #tpu.memory_space<hbm>>) target_semaphore(%arg21 : memref<!tpu.dma_semaphore, #tpu.memory_space<semaphore_mem>>)
    } else {
    }
    %add3A_169 = arith.constant 204 : i32
    %add3A_170 = arith.addi %select_n3A, %add3A_169 : i32
    %lt3A_171 = arith.constant 10 : i32
    %lt3A_172 = arith.cmpi slt, %add3A_170, %lt3A_171 : i32
    %convert_element_type3A_173 = arith.extui %lt3A_172 : i1 to i32
    %cond3A_174 = arith.constant 0 : i32
    %cond3A_175 = arith.cmpi ne, %convert_element_type3A_173, %cond3A_174 : i32
    scf.if %cond3A_175 {
      %dma_wait3A_249 = arith.constant 51 : i32
      %dma_wait3A_250 = arith.constant 0 : i32
      %dma_wait3A_251 = tpu.memref_slice %arg6[%dma_wait3A_249, %dma_wait3A_250] : memref<53x128xi32, #tpu.memory_space<vmem>> -> memref<1x128xi32, #tpu.memory_space<vmem>>
      %dma_wait3A_252 = tpu.memref_squeeze %dma_wait3A_251 : memref<1x128xi32, #tpu.memory_space<vmem>> -> memref<128xi32, #tpu.memory_space<vmem>>
      %dma_wait3A_253 = arith.constant 0 : i32
      %dma_wait3A_254 = arith.constant 0 : i32
      %dma_wait3A_255 = tpu.memref_slice %arg4[%dma_wait3A_253, %dma_wait3A_254] : memref<1280x128xf32, #tpu.memory_space<hbm>> -> memref<1280x128xf32, #tpu.memory_space<hbm>>
      tpu.wait_indirect_dma semaphore(%arg16 : memref<!tpu.dma_semaphore, #tpu.memory_space<semaphore_mem>>) src(%dma_wait3A_255 : memref<1280x128xf32, #tpu.memory_space<hbm>>) dst(%arg10 : memref<128x128xf32, #tpu.memory_space<vmem>>)
    } else {
    }
    %ge3A_176 = arith.constant 10 : i32
    %ge3A_177 = arith.cmpi sge, %add3A_170, %ge3A_176 : i32
    %convert_element_type3A_178 = arith.extui %ge3A_177 : i1 to i32
    %cond3A_179 = arith.constant 0 : i32
    %cond3A_180 = arith.cmpi ne, %convert_element_type3A_178, %cond3A_179 : i32
    scf.if %cond3A_180 {
      %dma_wait3A_249 = arith.constant 51 : i32
      %dma_wait3A_250 = arith.constant 0 : i32
      %dma_wait3A_251 = tpu.memref_slice %arg6[%dma_wait3A_249, %dma_wait3A_250] : memref<53x128xi32, #tpu.memory_space<vmem>> -> memref<1x128xi32, #tpu.memory_space<vmem>>
      %dma_wait3A_252 = tpu.memref_squeeze %dma_wait3A_251 : memref<1x128xi32, #tpu.memory_space<vmem>> -> memref<128xi32, #tpu.memory_space<vmem>>
      %dma_wait3A_253 = arith.constant 0 : i32
      %dma_wait3A_254 = arith.constant 0 : i32
      %dma_wait3A_255 = tpu.memref_slice %arg3[%dma_wait3A_253, %dma_wait3A_254] : memref<100000x128xf32, #tpu.memory_space<hbm>> -> memref<100000x128xf32, #tpu.memory_space<hbm>>
      tpu.wait_indirect_dma semaphore(%arg16 : memref<!tpu.dma_semaphore, #tpu.memory_space<semaphore_mem>>) src(%dma_wait3A_255 : memref<100000x128xf32, #tpu.memory_space<hbm>>) dst(%arg10 : memref<128x128xf32, #tpu.memory_space<vmem>>)
    } else {
    }
    %add3A_181 = arith.constant 204 : i32
    %add3A_182 = arith.addi %select_n3A, %add3A_181 : i32
    %lt3A_183 = arith.constant 210 : i32
    %lt3A_184 = arith.cmpi slt, %add3A_182, %lt3A_183 : i32
    %convert_element_type3A_185 = arith.extui %lt3A_184 : i1 to i32
    %cond3A_186 = arith.constant 0 : i32
    %cond3A_187 = arith.cmpi ne, %convert_element_type3A_185, %cond3A_186 : i32
    scf.if %cond3A_187 {
      %dma_start3A = arith.constant 0 : i32
      %dma_start3A_249 = tpu.memref_slice %arg5[%add3A_182, %mul3A_32, %dma_start3A] : memref<210x1024x128xf32, #tpu.memory_space<hbm>> -> memref<1x128x128xf32, #tpu.memory_space<hbm>>
      %dma_start3A_250 = tpu.memref_squeeze %dma_start3A_249 : memref<1x128x128xf32, #tpu.memory_space<hbm>> -> memref<128x128xf32, #tpu.memory_space<hbm>>
      %dma_start3A_251 = arith.constant 0 : i32
      %dma_start3A_252 = tpu.memref_slice %arg5[%add3A_182, %mul3A_32, %dma_start3A_251] : memref<210x1024x128xf32, #tpu.memory_space<hbm>> -> memref<1x128x128xf32, #tpu.memory_space<hbm>>
      %dma_start3A_253 = tpu.memref_squeeze %dma_start3A_252 : memref<1x128x128xf32, #tpu.memory_space<hbm>> -> memref<128x128xf32, #tpu.memory_space<hbm>>
      tpu.enqueue_dma source(%arg10 : memref<128x128xf32, #tpu.memory_space<vmem>>) target(%dma_start3A_253 : memref<128x128xf32, #tpu.memory_space<hbm>>) target_semaphore(%arg22 : memref<!tpu.dma_semaphore, #tpu.memory_space<semaphore_mem>>)
    } else {
    }
    %add3A_188 = arith.constant 208 : i32
    %add3A_189 = arith.addi %select_n3A, %add3A_188 : i32
    %lt3A_190 = arith.constant 10 : i32
    %lt3A_191 = arith.cmpi slt, %add3A_189, %lt3A_190 : i32
    %convert_element_type3A_192 = arith.extui %lt3A_191 : i1 to i32
    %cond3A_193 = arith.constant 0 : i32
    %cond3A_194 = arith.cmpi ne, %convert_element_type3A_192, %cond3A_193 : i32
    scf.if %cond3A_194 {
      %dma_wait3A_249 = arith.constant 52 : i32
      %dma_wait3A_250 = arith.constant 0 : i32
      %dma_wait3A_251 = tpu.memref_slice %arg6[%dma_wait3A_249, %dma_wait3A_250] : memref<53x128xi32, #tpu.memory_space<vmem>> -> memref<1x128xi32, #tpu.memory_space<vmem>>
      %dma_wait3A_252 = tpu.memref_squeeze %dma_wait3A_251 : memref<1x128xi32, #tpu.memory_space<vmem>> -> memref<128xi32, #tpu.memory_space<vmem>>
      %dma_wait3A_253 = arith.constant 0 : i32
      %dma_wait3A_254 = arith.constant 0 : i32
      %dma_wait3A_255 = tpu.memref_slice %arg4[%dma_wait3A_253, %dma_wait3A_254] : memref<1280x128xf32, #tpu.memory_space<hbm>> -> memref<1280x128xf32, #tpu.memory_space<hbm>>
      tpu.wait_indirect_dma semaphore(%arg17 : memref<!tpu.dma_semaphore, #tpu.memory_space<semaphore_mem>>) src(%dma_wait3A_255 : memref<1280x128xf32, #tpu.memory_space<hbm>>) dst(%arg11 : memref<128x128xf32, #tpu.memory_space<vmem>>)
    } else {
    }
    %ge3A_195 = arith.constant 10 : i32
    %ge3A_196 = arith.cmpi sge, %add3A_189, %ge3A_195 : i32
    %convert_element_type3A_197 = arith.extui %ge3A_196 : i1 to i32
    %cond3A_198 = arith.constant 0 : i32
    %cond3A_199 = arith.cmpi ne, %convert_element_type3A_197, %cond3A_198 : i32
    scf.if %cond3A_199 {
      %dma_wait3A_249 = arith.constant 52 : i32
      %dma_wait3A_250 = arith.constant 0 : i32
      %dma_wait3A_251 = tpu.memref_slice %arg6[%dma_wait3A_249, %dma_wait3A_250] : memref<53x128xi32, #tpu.memory_space<vmem>> -> memref<1x128xi32, #tpu.memory_space<vmem>>
      %dma_wait3A_252 = tpu.memref_squeeze %dma_wait3A_251 : memref<1x128xi32, #tpu.memory_space<vmem>> -> memref<128xi32, #tpu.memory_space<vmem>>
      %dma_wait3A_253 = arith.constant 0 : i32
      %dma_wait3A_254 = arith.constant 0 : i32
      %dma_wait3A_255 = tpu.memref_slice %arg3[%dma_wait3A_253, %dma_wait3A_254] : memref<100000x128xf32, #tpu.memory_space<hbm>> -> memref<100000x128xf32, #tpu.memory_space<hbm>>
      tpu.wait_indirect_dma semaphore(%arg17 : memref<!tpu.dma_semaphore, #tpu.memory_space<semaphore_mem>>) src(%dma_wait3A_255 : memref<100000x128xf32, #tpu.memory_space<hbm>>) dst(%arg11 : memref<128x128xf32, #tpu.memory_space<vmem>>)
    } else {
    }
    %add3A_200 = arith.constant 208 : i32
    %add3A_201 = arith.addi %select_n3A, %add3A_200 : i32
    %lt3A_202 = arith.constant 210 : i32
    %lt3A_203 = arith.cmpi slt, %add3A_201, %lt3A_202 : i32
    %convert_element_type3A_204 = arith.extui %lt3A_203 : i1 to i32
    %cond3A_205 = arith.constant 0 : i32
    %cond3A_206 = arith.cmpi ne, %convert_element_type3A_204, %cond3A_205 : i32
    scf.if %cond3A_206 {
      %dma_start3A = arith.constant 0 : i32
      %dma_start3A_249 = tpu.memref_slice %arg5[%add3A_201, %mul3A_32, %dma_start3A] : memref<210x1024x128xf32, #tpu.memory_space<hbm>> -> memref<1x128x128xf32, #tpu.memory_space<hbm>>
      %dma_start3A_250 = tpu.memref_squeeze %dma_start3A_249 : memref<1x128x128xf32, #tpu.memory_space<hbm>> -> memref<128x128xf32, #tpu.memory_space<hbm>>
      %dma_start3A_251 = arith.constant 0 : i32
      %dma_start3A_252 = tpu.memref_slice %arg5[%add3A_201, %mul3A_32, %dma_start3A_251] : memref<210x1024x128xf32, #tpu.memory_space<hbm>> -> memref<1x128x128xf32, #tpu.memory_space<hbm>>
      %dma_start3A_253 = tpu.memref_squeeze %dma_start3A_252 : memref<1x128x128xf32, #tpu.memory_space<hbm>> -> memref<128x128xf32, #tpu.memory_space<hbm>>
      tpu.enqueue_dma source(%arg11 : memref<128x128xf32, #tpu.memory_space<vmem>>) target(%dma_start3A_253 : memref<128x128xf32, #tpu.memory_space<hbm>>) target_semaphore(%arg23 : memref<!tpu.dma_semaphore, #tpu.memory_space<semaphore_mem>>)
    } else {
    }
    %add3A_207 = arith.constant 188 : i32
    %add3A_208 = arith.addi %select_n3A, %add3A_207 : i32
    %lt3A_209 = arith.constant 210 : i32
    %lt3A_210 = arith.cmpi slt, %add3A_208, %lt3A_209 : i32
    %convert_element_type3A_211 = arith.extui %lt3A_210 : i1 to i32
    %cond3A_212 = arith.constant 0 : i32
    %cond3A_213 = arith.cmpi ne, %convert_element_type3A_211, %cond3A_212 : i32
    scf.if %cond3A_213 {
      %dma_wait3A_249 = arith.constant 0 : i32
      %dma_wait3A_250 = arith.constant 0 : i32
      %dma_wait3A_251 = arith.constant 0 : i32
      %dma_wait3A_252 = tpu.memref_slice %arg5[%dma_wait3A_249, %dma_wait3A_250, %dma_wait3A_251] : memref<210x1024x128xf32, #tpu.memory_space<hbm>> -> memref<1x128x128xf32, #tpu.memory_space<hbm>>
      %dma_wait3A_253 = tpu.memref_squeeze %dma_wait3A_252 : memref<1x128x128xf32, #tpu.memory_space<hbm>> -> memref<128x128xf32, #tpu.memory_space<hbm>>
      %dma_wait3A_254 = arith.constant 0 : i32
      %dma_wait3A_255 = arith.constant 0 : i32
      %dma_wait3A_256 = tpu.memref_slice %arg5[%dma_wait3A_249, %dma_wait3A_254, %dma_wait3A_255] : memref<210x1024x128xf32, #tpu.memory_space<hbm>> -> memref<1x128x128xf32, #tpu.memory_space<hbm>>
      %dma_wait3A_257 = tpu.memref_squeeze %dma_wait3A_256 : memref<1x128x128xf32, #tpu.memory_space<hbm>> -> memref<128x128xf32, #tpu.memory_space<hbm>>
      tpu.wait_dma2 semaphore(%arg24 : memref<!tpu.dma_semaphore, #tpu.memory_space<semaphore_mem>>) src(%arg12 : memref<128x128xf32, #tpu.memory_space<vmem>>) dst(%dma_wait3A_257 : memref<128x128xf32, #tpu.memory_space<hbm>>)
    } else {
    }
    %add3A_214 = arith.constant 192 : i32
    %add3A_215 = arith.addi %select_n3A, %add3A_214 : i32
    %lt3A_216 = arith.constant 210 : i32
    %lt3A_217 = arith.cmpi slt, %add3A_215, %lt3A_216 : i32
    %convert_element_type3A_218 = arith.extui %lt3A_217 : i1 to i32
    %cond3A_219 = arith.constant 0 : i32
    %cond3A_220 = arith.cmpi ne, %convert_element_type3A_218, %cond3A_219 : i32
    scf.if %cond3A_220 {
      %dma_wait3A_249 = arith.constant 0 : i32
      %dma_wait3A_250 = arith.constant 0 : i32
      %dma_wait3A_251 = arith.constant 0 : i32
      %dma_wait3A_252 = tpu.memref_slice %arg5[%dma_wait3A_249, %dma_wait3A_250, %dma_wait3A_251] : memref<210x1024x128xf32, #tpu.memory_space<hbm>> -> memref<1x128x128xf32, #tpu.memory_space<hbm>>
      %dma_wait3A_253 = tpu.memref_squeeze %dma_wait3A_252 : memref<1x128x128xf32, #tpu.memory_space<hbm>> -> memref<128x128xf32, #tpu.memory_space<hbm>>
      %dma_wait3A_254 = arith.constant 0 : i32
      %dma_wait3A_255 = arith.constant 0 : i32
      %dma_wait3A_256 = tpu.memref_slice %arg5[%dma_wait3A_249, %dma_wait3A_254, %dma_wait3A_255] : memref<210x1024x128xf32, #tpu.memory_space<hbm>> -> memref<1x128x128xf32, #tpu.memory_space<hbm>>
      %dma_wait3A_257 = tpu.memref_squeeze %dma_wait3A_256 : memref<1x128x128xf32, #tpu.memory_space<hbm>> -> memref<128x128xf32, #tpu.memory_space<hbm>>
      tpu.wait_dma2 semaphore(%arg19 : memref<!tpu.dma_semaphore, #tpu.memory_space<semaphore_mem>>) src(%arg7 : memref<128x128xf32, #tpu.memory_space<vmem>>) dst(%dma_wait3A_257 : memref<128x128xf32, #tpu.memory_space<hbm>>)
    } else {
    }
    %add3A_221 = arith.constant 196 : i32
    %add3A_222 = arith.addi %select_n3A, %add3A_221 : i32
    %lt3A_223 = arith.constant 210 : i32
    %lt3A_224 = arith.cmpi slt, %add3A_222, %lt3A_223 : i32
    %convert_element_type3A_225 = arith.extui %lt3A_224 : i1 to i32
    %cond3A_226 = arith.constant 0 : i32
    %cond3A_227 = arith.cmpi ne, %convert_element_type3A_225, %cond3A_226 : i32
    scf.if %cond3A_227 {
      %dma_wait3A_249 = arith.constant 0 : i32
      %dma_wait3A_250 = arith.constant 0 : i32
      %dma_wait3A_251 = arith.constant 0 : i32
      %dma_wait3A_252 = tpu.memref_slice %arg5[%dma_wait3A_249, %dma_wait3A_250, %dma_wait3A_251] : memref<210x1024x128xf32, #tpu.memory_space<hbm>> -> memref<1x128x128xf32, #tpu.memory_space<hbm>>
      %dma_wait3A_253 = tpu.memref_squeeze %dma_wait3A_252 : memref<1x128x128xf32, #tpu.memory_space<hbm>> -> memref<128x128xf32, #tpu.memory_space<hbm>>
      %dma_wait3A_254 = arith.constant 0 : i32
      %dma_wait3A_255 = arith.constant 0 : i32
      %dma_wait3A_256 = tpu.memref_slice %arg5[%dma_wait3A_249, %dma_wait3A_254, %dma_wait3A_255] : memref<210x1024x128xf32, #tpu.memory_space<hbm>> -> memref<1x128x128xf32, #tpu.memory_space<hbm>>
      %dma_wait3A_257 = tpu.memref_squeeze %dma_wait3A_256 : memref<1x128x128xf32, #tpu.memory_space<hbm>> -> memref<128x128xf32, #tpu.memory_space<hbm>>
      tpu.wait_dma2 semaphore(%arg20 : memref<!tpu.dma_semaphore, #tpu.memory_space<semaphore_mem>>) src(%arg8 : memref<128x128xf32, #tpu.memory_space<vmem>>) dst(%dma_wait3A_257 : memref<128x128xf32, #tpu.memory_space<hbm>>)
    } else {
    }
    %add3A_228 = arith.constant 200 : i32
    %add3A_229 = arith.addi %select_n3A, %add3A_228 : i32
    %lt3A_230 = arith.constant 210 : i32
    %lt3A_231 = arith.cmpi slt, %add3A_229, %lt3A_230 : i32
    %convert_element_type3A_232 = arith.extui %lt3A_231 : i1 to i32
    %cond3A_233 = arith.constant 0 : i32
    %cond3A_234 = arith.cmpi ne, %convert_element_type3A_232, %cond3A_233 : i32
    scf.if %cond3A_234 {
      %dma_wait3A_249 = arith.constant 0 : i32
      %dma_wait3A_250 = arith.constant 0 : i32
      %dma_wait3A_251 = arith.constant 0 : i32
      %dma_wait3A_252 = tpu.memref_slice %arg5[%dma_wait3A_249, %dma_wait3A_250, %dma_wait3A_251] : memref<210x1024x128xf32, #tpu.memory_space<hbm>> -> memref<1x128x128xf32, #tpu.memory_space<hbm>>
      %dma_wait3A_253 = tpu.memref_squeeze %dma_wait3A_252 : memref<1x128x128xf32, #tpu.memory_space<hbm>> -> memref<128x128xf32, #tpu.memory_space<hbm>>
      %dma_wait3A_254 = arith.constant 0 : i32
      %dma_wait3A_255 = arith.constant 0 : i32
      %dma_wait3A_256 = tpu.memref_slice %arg5[%dma_wait3A_249, %dma_wait3A_254, %dma_wait3A_255] : memref<210x1024x128xf32, #tpu.memory_space<hbm>> -> memref<1x128x128xf32, #tpu.memory_space<hbm>>
      %dma_wait3A_257 = tpu.memref_squeeze %dma_wait3A_256 : memref<1x128x128xf32, #tpu.memory_space<hbm>> -> memref<128x128xf32, #tpu.memory_space<hbm>>
      tpu.wait_dma2 semaphore(%arg21 : memref<!tpu.dma_semaphore, #tpu.memory_space<semaphore_mem>>) src(%arg9 : memref<128x128xf32, #tpu.memory_space<vmem>>) dst(%dma_wait3A_257 : memref<128x128xf32, #tpu.memory_space<hbm>>)
    } else {
    }
    %add3A_235 = arith.constant 204 : i32
    %add3A_236 = arith.addi %select_n3A, %add3A_235 : i32
    %lt3A_237 = arith.constant 210 : i32
    %lt3A_238 = arith.cmpi slt, %add3A_236, %lt3A_237 : i32
    %convert_element_type3A_239 = arith.extui %lt3A_238 : i1 to i32
    %cond3A_240 = arith.constant 0 : i32
    %cond3A_241 = arith.cmpi ne, %convert_element_type3A_239, %cond3A_240 : i32
    scf.if %cond3A_241 {
      %dma_wait3A_249 = arith.constant 0 : i32
      %dma_wait3A_250 = arith.constant 0 : i32
      %dma_wait3A_251 = arith.constant 0 : i32
      %dma_wait3A_252 = tpu.memref_slice %arg5[%dma_wait3A_249, %dma_wait3A_250, %dma_wait3A_251] : memref<210x1024x128xf32, #tpu.memory_space<hbm>> -> memref<1x128x128xf32, #tpu.memory_space<hbm>>
      %dma_wait3A_253 = tpu.memref_squeeze %dma_wait3A_252 : memref<1x128x128xf32, #tpu.memory_space<hbm>> -> memref<128x128xf32, #tpu.memory_space<hbm>>
      %dma_wait3A_254 = arith.constant 0 : i32
      %dma_wait3A_255 = arith.constant 0 : i32
      %dma_wait3A_256 = tpu.memref_slice %arg5[%dma_wait3A_249, %dma_wait3A_254, %dma_wait3A_255] : memref<210x1024x128xf32, #tpu.memory_space<hbm>> -> memref<1x128x128xf32, #tpu.memory_space<hbm>>
      %dma_wait3A_257 = tpu.memref_squeeze %dma_wait3A_256 : memref<1x128x128xf32, #tpu.memory_space<hbm>> -> memref<128x128xf32, #tpu.memory_space<hbm>>
      tpu.wait_dma2 semaphore(%arg22 : memref<!tpu.dma_semaphore, #tpu.memory_space<semaphore_mem>>) src(%arg10 : memref<128x128xf32, #tpu.memory_space<vmem>>) dst(%dma_wait3A_257 : memref<128x128xf32, #tpu.memory_space<hbm>>)
    } else {
    }
    %add3A_242 = arith.constant 208 : i32
    %add3A_243 = arith.addi %select_n3A, %add3A_242 : i32
    %lt3A_244 = arith.constant 210 : i32
    %lt3A_245 = arith.cmpi slt, %add3A_243, %lt3A_244 : i32
    %convert_element_type3A_246 = arith.extui %lt3A_245 : i1 to i32
    %cond3A_247 = arith.constant 0 : i32
    %cond3A_248 = arith.cmpi ne, %convert_element_type3A_246, %cond3A_247 : i32
    scf.if %cond3A_248 {
      %dma_wait3A_249 = arith.constant 0 : i32
      %dma_wait3A_250 = arith.constant 0 : i32
      %dma_wait3A_251 = arith.constant 0 : i32
      %dma_wait3A_252 = tpu.memref_slice %arg5[%dma_wait3A_249, %dma_wait3A_250, %dma_wait3A_251] : memref<210x1024x128xf32, #tpu.memory_space<hbm>> -> memref<1x128x128xf32, #tpu.memory_space<hbm>>
      %dma_wait3A_253 = tpu.memref_squeeze %dma_wait3A_252 : memref<1x128x128xf32, #tpu.memory_space<hbm>> -> memref<128x128xf32, #tpu.memory_space<hbm>>
      %dma_wait3A_254 = arith.constant 0 : i32
      %dma_wait3A_255 = arith.constant 0 : i32
      %dma_wait3A_256 = tpu.memref_slice %arg5[%dma_wait3A_249, %dma_wait3A_254, %dma_wait3A_255] : memref<210x1024x128xf32, #tpu.memory_space<hbm>> -> memref<1x128x128xf32, #tpu.memory_space<hbm>>
      %dma_wait3A_257 = tpu.memref_squeeze %dma_wait3A_256 : memref<1x128x128xf32, #tpu.memory_space<hbm>> -> memref<128x128xf32, #tpu.memory_space<hbm>>
      tpu.wait_dma2 semaphore(%arg23 : memref<!tpu.dma_semaphore, #tpu.memory_space<semaphore_mem>>) src(%arg11 : memref<128x128xf32, #tpu.memory_space<vmem>>) dst(%dma_wait3A_257 : memref<128x128xf32, #tpu.memory_space<hbm>>)
    } else {
    }
    return
  }
}

</mosaic_0001>

<sc_bundles>
// kernel: kernel.3.cloned.1.call-start
scs
__scs_entry_jumppad:
0x0: {  	(pc) =	sbr.rel $0x88, $3  }
0x1: {  	(tag) =	ssettag $0x0;
	lr =	simm.s32 $0x1  }
0x2: {  	[smem:$0x3F9C] =	sst lr;
	_ =	strace $0xD0000000  }
0x3: {  	_ = 	snop  }
0x4: {  	_ = 	snop  }
0x5: {  	_ = 	snop  }
0x6: {  	_ = 	snop  }
0x7: {  	_ = 	snop  }
__scs_overlays_trampoline_lowered:
0x8: {  	[smem:$0x3FAB] =	sst s0  }
0x9: {  	[smem:$0x3FAC] =	sst s1  }
0xa: {  	[smem:$0x3FAD] =	sst s2  }
0xb: {  	[smem:$0x3FAE] =	sst s3  }
0xc: {  	[smem:$0x3FAF] =	sst s4  }
0xd: {  	[smem:$0x3FB0] =	sst s5  }
0xe: {  	[smem:$0x3FB1] =	sst s6  }
0xf: {  	[smem:$0x3FB2] =	sst s7  }
0x10: {  	[smem:$0x3FB3] =	sst s8  }
0x11: {  	[smem:$0x3FB4] =	sst s9;
	s0 =	simm.s32 @!p0 $0x0  }
0x12: {  	s1 =	sld [smem:$0x3F9A];
	s0 =	simm.s32 @p0 $0x1  }
0x13: {  	[smem:$0x3FB5] =	sst s0;
	s0 =	simm.s32 @!p1 $0x0  }
0x14: {  	s2 =	sld [smem:$0x3F99];
	s0 =	simm.s32 @p1 $0x1  }
0x15: {  	[smem:$0x3FB6] =	sst s0;
	s0 =	simm.s32 @!p2 $0x0  }
0x16: {  	s3 =	sld [smem:$0x3FDB];
	s0 =	simm.s32 @p2 $0x1  }
0x17: {  	s4 =	simm.s32 $0x1BF5;
	[smem:$0x3FB8] =	sst s0  }
0x18: {  	s0 =	sld [smem:$0x3F9B];
	_ =	swait.ge [sflag:s4], $0x0  }
0x19: {  	s7 =	sld [smem:$0x3F9C]  }
0x1a: {  	s8 =	sadd.s32 $0xFFFFE003, lr  }
0x1b: {  	s9 =	sadd.s32 $0xFFFFFEF7, lr;
	s5 =	simm.s32 $0xFFFFFFFF;
	p2 =	slt.u32 s8, $0xFFFFF086  }
0x1c: {  	p1 =	slt.u32 s9, $0xF7A;
	s5 =	simm.s32 @!p2 $0x0  }
0x1d: {  	s5 =	simm.s32 @p1 $0x1;
	p0 =	seq.s32 s7, s2  }
0x1e: {  	s7 =	smul.u32 @!p0 $0xF7A, s2;
	p2 =	seq.s32 @!p0 s5, $0x0  }
0x1f: {  	s9 =	smul.u32 $0xF7A, s1;
	s8 =	simm.s32 @!p0 $0x1BF5;
	p2 =	por !p2, p0  }
0x20: {  	[sflag:s8] =	ssyncset.s32 @!p0 $0xFFFFF086;
	s6 =	sadd.s32 @!p0 s3, s7;
	s7 =	simm.s32 @!p0 $0x108  }
0x21: {  	s3 =	sadd.s32 s3, s9;
	s6 =	sadd.s32 @!p0 $0x88, s6;
	s7 =	simm.s32 @p2 $0x1082  }
0x22: {  	[simem:s7], [sflag:s8] =	dma.local @!p0 [hbm:s6], $0xF7A  }
0x23: {  	s9 =	sor.u32 $0xD0000000, s2;
	s6 =	simm.s32 $0x108;
	_ =	swait.ge @!p0 [sflag:s8], $0x0  }
0x24: {  	s3 =	sadd.s32 $0x88, s3;
	s6 =	simm.s32 @!p1 $0x1082;
	[sflag:s4] =	ssyncset.s32 $0xFFFFF086  }
0x25: {  	[simem:s6], [sflag:s4] =	dma.local [hbm:s3], $0xF7A  }
0x26: {  	[smem:$0x3F9C] =	sst s1;
	(tag) =	ssettag s2;
	_ =	strace s9  }
0x27: {  	s1 =	sld [smem:$0x3FAC]  }
0x28: {  	s2 =	sld [smem:$0x3FAD]  }
0x29: {  	s4 =	sld [smem:$0x3FAF]  }
0x2a: {  	p0 =	seq.s32 s5, $0x0;
	s5 =	sld [smem:$0x3FB0]  }
0x2b: {  	s6 =	sld [smem:$0x3FB1]  }
0x2c: {  	s7 =	sld [smem:$0x3FB2]  }
0x2d: {  	s3 =	simm.s32 $0x108;
	s8 =	sld [smem:$0x3FB3]  }
0x2e: {  	s3 =	simm.s32 @!p0 $0x1082;
	s9 =	sld [smem:$0x3FB4]  }
0x2f: {  	lr =	sadd.s32 s0, s3;
	s0 =	sld [smem:$0x3FAB]  }
0x30: {  	s3 =	sld [smem:$0x3FAE]  }
0x31: {  	[smem:$0x3FB7] =	sst s10  }
0x32: {  	s10 =	sld [smem:$0x3FB5];
	_ =	sdelay $0x3  }
0x33: {  	p0 =	seq.s32 s10, $0x1;
	s10 =	sld [smem:$0x3FB7];
	_ =	sdelay $0x3  }
0x34: {  	[smem:$0x3FB7] =	sst s10  }
0x35: {  	s10 =	sld [smem:$0x3FB6];
	_ =	sdelay $0x3  }
0x36: {  	p1 =	seq.s32 s10, $0x1;
	s10 =	sld [smem:$0x3FB7];
	_ =	sdelay $0x3  }
0x37: {  	[smem:$0x3FB7] =	sst s10  }
0x38: {  	s10 =	sld [smem:$0x3FB8]  }
0x39: {  	_ = 	snop;
	(pc) =	sbr.ind lr, $3  }
0x3a: {  	_ = 	snop  }
0x3b: {  	_ = 	snop  }
0x3c: {  	p2 =	seq.s32 s10, $0x1;
	s10 =	sld [smem:$0x3FB7]  }
0x3d: {  	_ =	shalt  }
0x3e: {  	_ =	shalt  }
0x3f: {  	_ =	shalt  }
0x40: {  	_ =	shalt  }
0x41: {  	_ =	shalt  }
0x42: {  	_ =	shalt  }
0x43: {  	_ =	shalt  }
0x44: {  	_ =	shalt  }
0x45: {  	_ =	shalt  }
0x46: {  	_ =	shalt  }
0x47: {  	_ =	shalt  }
0x48: {  	_ =	shalt  }
0x49: {  	_ =	shalt  }
0x4a: {  	_ =	shalt  }
0x4b: {  	_ =	shalt  }
0x4c: {  	_ =	shalt  }
0x4d: {  	_ =	shalt  }
0x4e: {  	_ =	shalt  }
0x4f: {  	_ =	shalt  }
0x50: {  	_ =	shalt  }
0x51: {  	_ =	shalt  }
0x52: {  	_ =	shalt  }
0x53: {  	_ =	shalt  }
0x54: {  	_ =	shalt  }
0x55: {  	_ =	shalt  }
0x56: {  	_ =	shalt  }
0x57: {  	_ =	shalt  }
0x58: {  	_ =	shalt  }
0x59: {  	_ =	shalt  }
0x5a: {  	_ =	shalt  }
0x5b: {  	_ =	shalt  }
0x5c: {  	_ =	shalt  }
0x5d: {  	_ =	shalt  }
0x5e: {  	_ =	shalt  }
0x5f: {  	_ =	shalt  }
0x60: {  	_ =	shalt  }
0x61: {  	_ =	shalt  }
0x62: {  	_ =	shalt  }
0x63: {  	_ =	shalt  }
0x64: {  	_ =	shalt  }
0x65: {  	_ =	shalt  }
0x66: {  	_ =	shalt  }
0x67: {  	_ =	shalt  }
0x68: {  	_ =	shalt  }
0x69: {  	_ =	shalt  }
0x6a: {  	_ =	shalt  }
0x6b: {  	_ =	shalt  }
0x6c: {  	_ =	shalt  }
0x6d: {  	_ =	shalt  }
0x6e: {  	_ =	shalt  }
0x6f: {  	_ =	shalt  }
0x70: {  	_ =	shalt  }
0x71: {  	_ =	shalt  }
0x72: {  	_ =	shalt  }
0x73: {  	_ =	shalt  }
0x74: {  	_ =	shalt  }
0x75: {  	_ =	shalt  }
0x76: {  	_ =	shalt  }
0x77: {  	_ =	shalt  }
0x78: {  	_ =	shalt  }
0x79: {  	_ =	shalt  }
0x7a: {  	_ =	shalt  }
0x7b: {  	_ =	shalt  }
0x7c: {  	_ =	shalt  }
0x7d: {  	_ =	shalt  }
0x7e: {  	_ =	shalt  }
0x7f: {  	_ =	shalt  }
0x80: {  	_ =	shalt  }
0x81: {  	_ =	shalt  }
0x82: {  	_ =	shalt  }
0x83: {  	_ =	shalt  }
0x84: {  	_ =	shalt  }
0x85: {  	_ =	shalt  }
0x86: {  	_ =	shalt  }
0x87: {  	_ =	shalt  }
.Lfunc_end0:
.L_simem_size_0:
called_computation_lowered:
.L_overlay_start_0:
0x88: {  	s2 =	sld [smem:$0x3FD9]  }
0x89: {  	s3 =	sld [smem:$0x3FFE];
	_ =	sdelay $0x1  }
0x8a: {  	s1 =	srdreg.scid  }
0x8b: {  	s0 =	sand.u32 $0x1, s1  }
0x8c: {  	s17 =	sshll.u32 s0, $0xA;
	s2 =	sadd.s32 s3, s2  }
0x8d: {  	s2 =	sadd.s32 s2, s17  }
0x8e: {  	[smem:$0x3FC3] =	sst s2  }
0x8f: {  	_ = 	snop  }
0x90: {  	s2 =	sld [smem:$0x3FC7]  }
0x91: {  	s18 =	sld [smem:$0x3FD0];
	(tm) =	ssettm $0x1  }
0x92: {  	s4 =	sld [smem:$0x3FFB];
	_ =	sdelay $0x3  }
0x93: {  	_ =	strace s4  }
0x94: {  	s4 =	sld [smem:$0x3FFC];
	_ =	sdelay $0x3  }
0x95: {  	_ =	strace s4  }
0x96: {  	s4 =	sld [smem:$0x3FFD];
	_ =	sdelay $0x3  }
0x97: {  	_ =	strace s4  }
0x98: {  	_ =	strace $0x8FFFFFFF  }
0x99: {  	s19 =	sld [smem:$0x3FDB];
	_ =	sdelay $0x1  }
0x9a: {  	s5 =	simm.s32 $_scs_section_size  }
0x9b: {  	s6 =	simm.s32 $_size__tile_overlayer_lowered;
	s7 =	simm.s32 $_tile_overlayer_lowered  }
0x9c: {  	s22 =	simm.s32 $0x1BFF;
	s21 =	sshll.u32 s7, $0x1;
	s4 =	sadd.s32 s5, s19  }
0x9d: {  	s8 =	simm.s32 $0x0;
	s20 =	sshll.u32 s6, $0x1;
	s6 =	sadd.s32 s21, s4  }
0x9e: {  	[timem:s8], [sflag:s22] =	dma.local [hbm:s6], s20  }
0x9f: {  	_ =	swait.ge [sflag:s22], s20  }
0xa0: {  	s5 =	ssub.s32 $0x0, s20;
	[sflag:s22] =	ssyncset.done $0x0  }
0xa1: {  	[sflag:s22] =	ssyncadd.s32 s5;
	_ =	sdelay $0x1  }
0xa2: {  	s23 =	simm.s32 $0x1B8B  }
0xa3: {  	_ =	swait.ge [sflag:s23], $0x1  }
0xa4: {  	[sflag:s23] =	ssyncset.done $0x0  }
0xa5: {  	s25 =	simm.s32 $0x1B8E;
	s24 =	sld [smem:$0x3FFE];
	[sflag:s23] =	ssyncadd.s32 $0xFFFFFFFF  }
0xa6: {  	s26 =	simm.s32 $execute0_lowered;
	[smem:$0x3FD2] =	sst s25  }
0xa7: {  	s6 =	sshll.u32 s26, $0x1;
	_ =	strace $0x80000046;
	[dreg:$0x1] =	wrdreg $0xFFFFFFFF  }
0xa8: {  	s28 =	simm.s32 $_size_execute0_lowered;
	s4 =	sadd.s32 s4, s6;
	[dreg:$0x0] =	wrdreg $0x0  }
0xa9: {  	s6 =	sshll.u32 s28, $0x1;
	[dreg:$0x2] =	wrdreg s4  }
0xaa: {  	[dreg:$0x3] =	wrdreg s6  }
0xab: {  	[dreg:$0x4] =	wrdreg $0xC0  }
0xac: {  	_ =	task [dreg:s8], $0x5FFFF  }
0xad: {  	[dreg:$0x1] =	wrdreg $0xFFFFFFFF  }
0xae: {  	[dreg:$0x0] =	wrdreg $0x60  }
0xaf: {  	[dreg:$0x2] =	wrdreg s24  }
0xb0: {  	[dreg:$0x3] =	wrdreg s2  }
0xb1: {  	[dreg:$0x4] =	wrdreg s18  }
0xb2: {  	[dreg:$0x5] =	wrdreg $0x9  }
0xb3: {  	_ =	task.clear_ibuf [dreg:s8], $0x6FFFF;
	_ =	strace $0x90000046  }
0xb4: {  	s29 =	simm.s32 $0x9;
	_ =	strace $0x80000048  }
0xb5: {  	_ =	swait.ge [sflag:s29], $0x1  }
0xb6: {  	[sflag:s29] =	ssyncadd.s32 $0xFFFFFFFF  }
0xb7: {  	_ =	strace $0x90000048  }
0xb8: {  	_ =	sfence  }
0xb9: {  	s30 =	sld [smem:$0x0];
	_ =	sdelay $0x2  }
0xba: {  	s31 =	sshll.u32 s1, $0xD;
	s1 =	sshrl.u32 s1, $0x2  }
0xbb: {  	s3 =	sand.u32 $0x4000, s31;
	s1 =	sadd.s32 s1, s30  }
0xbc: {  	s0 =	sor.u32 s3, s0;
	s1 =	sshll.u32 s1, $0x11  }
0xbd: {  	s0 =	sor.u32 s1, s0  }
0xbe: {  	s0 =	sadd.s32 $0x8F2B, s0  }
0xbf: {  	[sflag:s0] =	ssyncadd.remote.s32 $0x1  }
0xc0: {  	_ =	sfence.sel $0xFFFF  }
0xc1: {  	[dreg:$0x0] =	wrdreg $0xFFFFFFFF;
	(pc) =	sbr.abs _section_cstart, $3  }
0xc2: {  	[dreg:$0x1] =	wrdreg $0xFFFFFFFF  }
0xc3: {  	_ =	task.clear_ibuf [dreg:s8], $0x2FFFF;
	_ =	strace $0x9FFFFFFF  }
0xc4: {  	(tm) =	ssettm $0x7FFFFFFF  }
0xc5: {  	_ =	shalt  }
tec
execute0_lowered:
.L_overlay_start_1:
0x0: {  	(tag) =	ssettag $0x1  }
0x1: {  	s0 =	rddreg [dreg:$0x0]  }
0x2: {  	s2 =	rddreg [dreg:$0x1];
	s1 =	srdreg.scid  }
0x3: {  	s11 =	stileid.u32;
	s5 =	rddreg [dreg:$0x2]  }
0x4: {  	s3 =	simm.s32 $0x0;
	s13 =	simm.s32 $0xD;
	s14 =	simm.s32 $0x80  }
0x5: {  	s15 =	simm.s32 $0x1C00;
	s16 =	simm.s32 $0x5C00;
	s18 =	simm.s32 $0x9C00  }
0x6: {  	s19 =	simm.s32 $0xDC00;
	s28 =	simm.s32 $0x8;
	s29 =	simm.s32 $0x5  }
0x7: {  	s30 =	simm.s32 $0x9;
	s31 =	simm.s32 $0x6;
	s17 =	simm.s32 $0xB  }
0x8: {  	s1 =	sand.u32 $0x1, s1;
	s4 =	sshll.u32 s11, $0x1;
	[smem:$0x7FF] =	sst s3  }
0x9: {  	s7 =	sshll.u32 s11, $0xC;
	p0 =	slt.u32 s11, $0x8;
	s12 =	smov.u32 s2  }
0xa: {  	s4 =	sor.u32 s1, s4;
	_ =	strace $0x80000047;
	s8 =	ssub.s32 $0x2, s1  }
0xb: {  	s10 =	sand.u32 $0xC000, s7;
	s1 =	sshll.u32 s1, $0xB;
	s6 =	smul.u32 $0x380, s4  }
0xc: {  	s4 =	sshll.u32 s4, $0xB;
	s20 =	sshrl.u32 s8, $0x1;
	s1 =	sor.u32 s1, s7  }
0xd: {  	s9 =	sand.u32 $0x3800, s4;
	s4 =	sadd.s32 $0x400, s0;
	s1 =	sand.u32 $0x3800, s1  }
0xe: {  	s6 =	sadd.s32 s6, s0;
	s9 =	sor.u32 s10, s9;
	s0 =	ssub.s32 s8, s20  }
0xf: {  	s12 =	smov.u32 @p0 s4;
	s20 =	simm.s32 $0x1;
	s6 =	sadd.s32 $0x5400, s6  }
0x10: {  	s21 =	sadd.s32 s9, s5;
	s0 =	smax.u32 s0, $0x1;
	[dreg:$0x5] =	wrdreg s6  }
0x11: {  	p0 =	sgt.u32 s11, $0x7;
	s22 =	sadd.s32 $0x300000, s21;
	[dreg:$0xb] =	wrdreg s0  }
0x12: {  	s5 =	sadd.s32 s10, s5;
	s23 =	sadd.s32 $0x310000, s21;
	[dreg:$0x6] =	wrdreg s22  }
0x13: {  	s24 =	sadd.s32 $0x320000, s21;
	s25 =	sadd.s32 $0x330000, s21;
	[dreg:$0x7] =	wrdreg s23  }
0x14: {  	s6 =	sadd.s32 $0x340000, s21;
	s26 =	sadd.s32 s1, s5;
	[dreg:$0x8] =	wrdreg s24  }
0x15: {  	s21 =	simm.s32 $0x11C00;
	s1 =	simm.s32 $0xA;
	[dreg:$0x9] =	wrdreg s25  }
0x16: {  	s0 =	simm.s32 $0xC;
	s5 =	simm.s32 $0x0;
	[dreg:$0xa] =	wrdreg s6  }
0x17: {  	[dreg:$0x4] =	wrdreg s26;
	s22 =	simm.s32 $0x2;
	s23 =	simm.s32 $0x15C00  }
0x18: {  	s24 =	simm.s32 $0x3;
	s25 =	simm.s32 $0x7;
	s26 =	simm.s32 $0x4  }
.LBB2_1:
0x19: {  	s6 =	rddreg [dreg:$0x5]  }
0x1a: {  	[tilespmem:s3], [sflag:$0xD] =	stream.linear.gather [hbm4b:s6+s3], $0x1A80, $0x38;
	[tilespmem:$0x19C00] =	vst v63  }
0x1b: {  	_ =	swait.ge [sflag:s13], $0x1A80  }
0x1c: {  	[sflag:s13] =	ssyncset.done $0x0  }
0x1d: {  	[sflag:s13] =	ssyncadd.s32 $0xFFFFE580  }
0x1e: {  	[tilespmem:s15], [sflag:$0x1] =	stream.indirect.gather [hbm4b:s4+s14], $0x80, s3, s14, $0xb8;
	[tilespmem:$0x19C00] =	vst v63  }
0x1f: {  	p1 =	por $0x1, $0x1  }
0x20: {  	[tilespmem:s16], [sflag:$0x2] =	stream.indirect.gather [hbm4b:s4+s14], $0x80, s14, s14, $0xb8;
	[tilespmem:$0x19C00] =	vst v63  }
0x21: {  	s8 =	simm.s32 $0x100;
	s6 =	simm.s32 @!p1 $0xA  }
0x22: {  	[tilespmem:s18], [sflag:$0x3] =	stream.indirect.gather [hbm4b:s12+s14], $0x80, s8, s14, $0xb8;
	[tilespmem:$0x19C00] =	vst v63  }
0x23: {  	_ =	swait.ge @!p1 [sflag:s6], $0x4000  }
0x24: {  	[sflag:s6] =	ssyncset.done @!p1 $0x0  }
0x25: {  	s9 =	simm.s32 $0x180;
	[sflag:s6] =	ssyncadd.s32 @!p1 $0xFFFFC000  }
0x26: {  	[tilespmem:s19], [sflag:$0x4] =	stream.indirect.gather [hbm4b:s2+s14], $0x80, s9, s14, $0xb8;
	[tilespmem:$0x19C00] =	vst v63  }
0x27: {  	_ =	swait.ge [sflag:s20], $0x4000  }
0x28: {  	s10 =	rddreg [dreg:$0x4];
	[sflag:s20] =	ssyncset.done $0x0  }
0x29: {  	s6 =	simm.s32 @!p1 $0xB;
	[sflag:s20] =	ssyncadd.s32 $0xFFFFC000;
	s9 =	sadd.s32 $0x0, s10  }
0x2a: {  	[hbm4b:s9+s3] =	stream.linear.scatter [tilespmem:s15], [sflag:$0x7], $0x4000, $0x38;
	[tilespmem:$0x19C00] =	vst v63  }
0x2b: {  	_ =	swait.ge @!p1 [sflag:s6], $0x4000  }
0x2c: {  	[sflag:s6] =	ssyncset.done @!p1 $0x0  }
0x2d: {  	s7 =	simm.s32 $0x200;
	[sflag:s6] =	ssyncadd.s32 @!p1 $0xFFFFC000  }
0x2e: {  	[tilespmem:s21], [sflag:$0x5] =	stream.indirect.gather [hbm4b:s2+s14], $0x80, s7, s14, $0xb8;
	[tilespmem:$0x19C00] =	vst v63  }
0x2f: {  	_ =	swait.ge [sflag:s22], $0x4000  }
0x30: {  	[sflag:s22] =	ssyncset.done $0x0  }
0x31: {  	s11 =	sadd.s32 $0x10000, s9;
	s7 =	simm.s32 @!p1 $0xC;
	[sflag:s22] =	ssyncadd.s32 $0xFFFFC000  }
0x32: {  	[hbm4b:s11+s3] =	stream.linear.scatter [tilespmem:s16], [sflag:$0x8], $0x4000, $0x38;
	[tilespmem:$0x19C00] =	vst v63  }
0x33: {  	_ =	swait.ge @!p1 [sflag:s7], $0x4000  }
0x34: {  	[sflag:s7] =	ssyncset.done @!p1 $0x0  }
0x35: {  	s8 =	simm.s32 $0x280;
	[sflag:s7] =	ssyncadd.s32 @!p1 $0xFFFFC000  }
0x36: {  	[tilespmem:s23], [sflag:$0x6] =	stream.indirect.gather [hbm4b:s2+s14], $0x80, s8, s14, $0xb8;
	[tilespmem:$0x19C00] =	vst v63  }
0x37: {  	_ =	swait.ge [sflag:s24], $0x4000  }
0x38: {  	[sflag:s24] =	ssyncset.done $0x0  }
0x39: {  	s10 =	sadd.s32 $0x20000, s9;
	[sflag:s24] =	ssyncadd.s32 $0xFFFFC000  }
0x3a: {  	[hbm4b:s10+s3] =	stream.linear.scatter [tilespmem:s18], [sflag:$0x9], $0x4000, $0x38;
	[tilespmem:$0x19C00] =	vst v63  }
0x3b: {  	_ =	swait.ge [sflag:s25], $0x4000  }
0x3c: {  	[sflag:s25] =	ssyncset.done $0x0  }
0x3d: {  	s11 =	simm.s32 $0x300;
	[sflag:s25] =	ssyncadd.s32 $0xFFFFC000  }
0x3e: {  	[tilespmem:s15], [sflag:$0x1] =	stream.indirect.gather [hbm4b:s2+s14], $0x80, s11, s14, $0xb8;
	[tilespmem:$0x19C00] =	vst v63  }
0x3f: {  	_ =	swait.ge [sflag:s26], $0x4000  }
0x40: {  	[sflag:s26] =	ssyncset.done $0x0  }
0x41: {  	s7 =	sadd.s32 $0x30000, s9;
	[sflag:s26] =	ssyncadd.s32 $0xFFFFC000  }
0x42: {  	[hbm4b:s7+s3] =	stream.linear.scatter [tilespmem:s19], [sflag:$0xA], $0x4000, $0x38;
	[tilespmem:$0x19C00] =	vst v63  }
0x43: {  	_ =	swait.ge [sflag:s28], $0x4000  }
0x44: {  	[sflag:s28] =	ssyncset.done $0x0  }
0x45: {  	s8 =	simm.s32 $0x380;
	[sflag:s28] =	ssyncadd.s32 $0xFFFFC000  }
0x46: {  	[tilespmem:s16], [sflag:$0x2] =	stream.indirect.gather [hbm4b:s2+s14], $0x80, s8, s14, $0xb8;
	[tilespmem:$0x19C00] =	vst v63  }
0x47: {  	_ =	swait.ge [sflag:s29], $0x4000  }
0x48: {  	[sflag:s29] =	ssyncset.done $0x0  }
0x49: {  	s10 =	sadd.s32 $0x40000, s9;
	[sflag:s29] =	ssyncadd.s32 $0xFFFFC000  }
0x4a: {  	[hbm4b:s10+s3] =	stream.linear.scatter [tilespmem:s21], [sflag:$0xB], $0x4000, $0x38;
	[tilespmem:$0x19C00] =	vst v63  }
0x4b: {  	_ =	swait.ge [sflag:s30], $0x4000  }
0x4c: {  	[sflag:s30] =	ssyncset.done $0x0  }
0x4d: {  	p2 =	por $0x0, $0x0;
	s11 =	simm.s32 $0x400;
	[sflag:s30] =	ssyncadd.s32 $0xFFFFC000  }
0x4e: {  	[tilespmem:s18], [sflag:$0x3] =	stream.indirect.gather [hbm4b:s2+s14], $0x80, s11, s14, $0xb8;
	[tilespmem:$0x19C00] =	vst v63  }
0x4f: {  	s6 =	simm.s32 $0x500;
	s9 =	sadd.s32 $0x50000, s9;
	_ =	swait.ge [sflag:s31], $0x4000  }
0x50: {  	s7 =	simm.s32 $0x60000;
	s8 =	simm.s32 $0xC0000;
	[sflag:s31] =	ssyncset.done $0x0  }
.LBB2_2:
0x51: {  	s10 =	simm.s32 @!p2 $0xA;
	[sflag:s31] =	ssyncadd.s32 $0xFFFFC000  }
0x52: {  	[hbm4b:s9+s3] =	stream.linear.scatter [tilespmem:s23], [sflag:$0xC], $0x4000, $0x38;
	[tilespmem:$0x19C00] =	vst v63  }
0x53: {  	_ =	swait.ge @!p2 [sflag:s10], $0x4000  }
0x54: {  	[sflag:s10] =	ssyncset.done @!p2 $0x0  }
0x55: {  	[sflag:s10] =	ssyncadd.s32 @!p2 $0xFFFFC000;
	s10 =	sadd.s32 $0xFFFFFF80, s6  }
0x56: {  	[tilespmem:s19], [sflag:$0x4] =	stream.indirect.gather [hbm4b:s2+s14], $0x80, s10, s14, $0xb8;
	[tilespmem:$0x19C00] =	vst v63  }
0x57: {  	_ =	swait.ge [sflag:s20], $0x4000  }
0x58: {  	s10 =	rddreg [dreg:$0x4];
	[sflag:s20] =	ssyncset.done $0x0  }
0x59: {  	[sflag:s20] =	ssyncadd.s32 $0xFFFFC000;
	s9 =	sadd.s32 s7, s10;
	s10 =	simm.s32 @!p2 $0xB  }
0x5a: {  	[hbm4b:s9+s3] =	stream.linear.scatter [tilespmem:s15], [sflag:$0x7], $0x4000, $0x38;
	[tilespmem:$0x19C00] =	vst v63  }
0x5b: {  	_ =	swait.ge @!p2 [sflag:s10], $0x4000  }
0x5c: {  	[sflag:s10] =	ssyncset.done @!p2 $0x0  }
0x5d: {  	[sflag:s10] =	ssyncadd.s32 @!p2 $0xFFFFC000  }
0x5e: {  	[tilespmem:s21], [sflag:$0x5] =	stream.indirect.gather [hbm4b:s2+s14], $0x80, s6, s14, $0xb8;
	[tilespmem:$0x19C00] =	vst v63  }
0x5f: {  	s11 =	smov.u32 s8;
	_ =	swait.ge [sflag:s22], $0x4000  }
0x60: {  	s7 =	smov.u32 s11;
	[sflag:s22] =	ssyncset.done $0x0  }
0x61: {  	s11 =	simm.s32 @!p2 $0xC;
	s10 =	sadd.s32 $0x10000, s9;
	[sflag:s22] =	ssyncadd.s32 $0xFFFFC000  }
0x62: {  	[hbm4b:s10+s3] =	stream.linear.scatter [tilespmem:s16], [sflag:$0x8], $0x4000, $0x38;
	[tilespmem:$0x19C00] =	vst v63  }
0x63: {  	_ =	swait.ge @!p2 [sflag:s11], $0x4000  }
0x64: {  	[sflag:s11] =	ssyncset.done @!p2 $0x0  }
0x65: {  	[sflag:s11] =	ssyncadd.s32 @!p2 $0xFFFFC000;
	s11 =	sadd.s32 $0x80, s6  }
0x66: {  	[tilespmem:s23], [sflag:$0x6] =	stream.indirect.gather [hbm4b:s2+s14], $0x80, s11, s14, $0xb8;
	[tilespmem:$0x19C00] =	vst v63  }
0x67: {  	_ =	swait.ge [sflag:s24], $0x4000  }
0x68: {  	[sflag:s24] =	ssyncset.done $0x0  }
0x69: {  	s11 =	sadd.s32 $0x20000, s9;
	[sflag:s24] =	ssyncadd.s32 $0xFFFFC000  }
0x6a: {  	[hbm4b:s11+s3] =	stream.linear.scatter [tilespmem:s18], [sflag:$0x9], $0x4000, $0x38;
	[tilespmem:$0x19C00] =	vst v63  }
0x6b: {  	_ =	swait.ge [sflag:s25], $0x4000  }
0x6c: {  	[sflag:s25] =	ssyncset.done $0x0  }
0x6d: {  	s11 =	sadd.s32 $0x100, s6;
	[sflag:s25] =	ssyncadd.s32 $0xFFFFC000  }
0x6e: {  	[tilespmem:s15], [sflag:$0x1] =	stream.indirect.gather [hbm4b:s2+s14], $0x80, s11, s14, $0xb8;
	[tilespmem:$0x19C00] =	vst v63  }
0x6f: {  	_ =	swait.ge [sflag:s26], $0x4000  }
0x70: {  	[sflag:s26] =	ssyncset.done $0x0  }
0x71: {  	s11 =	sadd.s32 $0x30000, s9;
	[sflag:s26] =	ssyncadd.s32 $0xFFFFC000  }
0x72: {  	[hbm4b:s11+s3] =	stream.linear.scatter [tilespmem:s19], [sflag:$0xA], $0x4000, $0x38;
	[tilespmem:$0x19C00] =	vst v63  }
0x73: {  	_ =	swait.ge [sflag:s28], $0x4000  }
0x74: {  	[sflag:s28] =	ssyncset.done $0x0  }
0x75: {  	s11 =	sadd.s32 $0x180, s6;
	[sflag:s28] =	ssyncadd.s32 $0xFFFFC000  }
0x76: {  	[tilespmem:s16], [sflag:$0x2] =	stream.indirect.gather [hbm4b:s2+s14], $0x80, s11, s14, $0xb8;
	[tilespmem:$0x19C00] =	vst v63  }
0x77: {  	_ =	swait.ge [sflag:s29], $0x4000  }
0x78: {  	[sflag:s29] =	ssyncset.done $0x0  }
0x79: {  	s8 =	sadd.s32 $0x60000, s8;
	s11 =	sadd.s32 $0x40000, s9;
	[sflag:s29] =	ssyncadd.s32 $0xFFFFC000  }
0x7a: {  	[hbm4b:s11+s3] =	stream.linear.scatter [tilespmem:s21], [sflag:$0xB], $0x4000, $0x38;
	[tilespmem:$0x19C00] =	vst v63  }
0x7b: {  	p1 =	sne.s32 s8, $0x300000;
	_ =	swait.ge [sflag:s30], $0x4000  }
.Ltmp0:
0x7c: {  	[sflag:s30] =	ssyncset.done $0x0;
	(pc) =	sbr.rel @p1 .LBB2_2-.Ltmp0, $4  }
0x7d: {  	s11 =	sadd.s32 $0x200, s6;
	[sflag:s30] =	ssyncadd.s32 $0xFFFFC000  }
0x7e: {  	[tilespmem:s18], [sflag:$0x3] =	stream.indirect.gather [hbm4b:s2+s14], $0x80, s11, s14, $0xb8;
	[tilespmem:$0x19C00] =	vst v63  }
0x7f: {  	p2 =	seq.s32 s7, $0x0;
	_ =	swait.ge [sflag:s31], $0x4000  }
0x80: {  	s9 =	sadd.s32 $0x50000, s9;
	s6 =	sadd.s32 $0x300, s6;
	[sflag:s31] =	ssyncset.done $0x0  }
0x81: {  	[sflag:s31] =	ssyncadd.s32 $0xFFFFC000;
	s8 =	simm.s32 @!p2 $0xA  }
0x82: {  	[hbm4b:s9+s3] =	stream.linear.scatter [tilespmem:s23], [sflag:$0xC], $0x4000, $0x38;
	[tilespmem:$0x19C00] =	vst v63  }
0x83: {  	_ =	swait.ge @!p2 [sflag:s8], $0x4000  }
0x84: {  	[sflag:s8] =	ssyncset.done @!p2 $0x0  }
0x85: {  	s9 =	sadd.s32 $0xFFFFFF80, s6;
	[sflag:s8] =	ssyncadd.s32 @!p2 $0xFFFFC000  }
0x86: {  	[tilespmem:s19], [sflag:$0x4] =	stream.indirect.gather [hbm4b:s2+s14], $0x80, s9, s14, $0xb8;
	[tilespmem:$0x19C00] =	vst v63  }
0x87: {  	_ =	swait.ge [sflag:s20], $0x4000  }
0x88: {  	s10 =	rddreg [dreg:$0x4];
	[sflag:s20] =	ssyncset.done $0x0  }
0x89: {  	s8 =	simm.s32 @!p2 $0xB;
	[sflag:s20] =	ssyncadd.s32 $0xFFFFC000;
	s7 =	sadd.s32 s7, s10  }
0x8a: {  	[hbm4b:s7+s3] =	stream.linear.scatter [tilespmem:s15], [sflag:$0x7], $0x4000, $0x38;
	[tilespmem:$0x19C00] =	vst v63  }
0x8b: {  	_ =	swait.ge @!p2 [sflag:s8], $0x4000  }
0x8c: {  	[sflag:s8] =	ssyncset.done @!p2 $0x0  }
0x8d: {  	[sflag:s8] =	ssyncadd.s32 @!p2 $0xFFFFC000  }
0x8e: {  	[tilespmem:s21], [sflag:$0x5] =	stream.indirect.gather [hbm4b:s2+s14], $0x80, s6, s14, $0xb8;
	[tilespmem:$0x19C00] =	vst v63  }
0x8f: {  	_ =	swait.ge [sflag:s22], $0x4000  }
0x90: {  	[sflag:s22] =	ssyncset.done $0x0  }
0x91: {  	s11 =	sadd.s32 $0x10000, s7;
	s8 =	simm.s32 @!p2 $0xC;
	[sflag:s22] =	ssyncadd.s32 $0xFFFFC000  }
0x92: {  	[hbm4b:s11+s3] =	stream.linear.scatter [tilespmem:s16], [sflag:$0x8], $0x4000, $0x38;
	[tilespmem:$0x19C00] =	vst v63  }
0x93: {  	_ =	swait.ge @!p2 [sflag:s8], $0x4000  }
0x94: {  	[sflag:s8] =	ssyncset.done @!p2 $0x0  }
0x95: {  	s9 =	sadd.s32 $0x80, s6;
	[sflag:s8] =	ssyncadd.s32 @!p2 $0xFFFFC000  }
0x96: {  	[tilespmem:s23], [sflag:$0x6] =	stream.indirect.gather [hbm4b:s2+s14], $0x80, s9, s14, $0xb8;
	[tilespmem:$0x19C00] =	vst v63  }
0x97: {  	_ =	swait.ge [sflag:s24], $0x4000  }
0x98: {  	[sflag:s24] =	ssyncset.done $0x0  }
0x99: {  	s10 =	sadd.s32 $0x20000, s7;
	[sflag:s24] =	ssyncadd.s32 $0xFFFFC000  }
0x9a: {  	[hbm4b:s10+s3] =	stream.linear.scatter [tilespmem:s18], [sflag:$0x9], $0x4000, $0x38;
	[tilespmem:$0x19C00] =	vst v63  }
0x9b: {  	_ =	swait.ge [sflag:s25], $0x4000  }
0x9c: {  	[sflag:s25] =	ssyncset.done $0x0  }
0x9d: {  	s11 =	sadd.s32 $0x100, s6;
	[sflag:s25] =	ssyncadd.s32 $0xFFFFC000  }
0x9e: {  	[tilespmem:s15], [sflag:$0x1] =	stream.indirect.gather [hbm4b:s2+s14], $0x80, s11, s14, $0xb8;
	[tilespmem:$0x19C00] =	vst v63  }
0x9f: {  	_ =	swait.ge [sflag:s26], $0x4000  }
0xa0: {  	[sflag:s26] =	ssyncset.done $0x0  }
0xa1: {  	s9 =	sadd.s32 $0x30000, s7;
	[sflag:s26] =	ssyncadd.s32 $0xFFFFC000  }
0xa2: {  	[hbm4b:s9+s3] =	stream.linear.scatter [tilespmem:s19], [sflag:$0xA], $0x4000, $0x38;
	[tilespmem:$0x19C00] =	vst v63  }
0xa3: {  	_ =	swait.ge [sflag:s28], $0x4000  }
0xa4: {  	[sflag:s28] =	ssyncset.done $0x0  }
0xa5: {  	s10 =	sadd.s32 $0x180, s6;
	[sflag:s28] =	ssyncadd.s32 $0xFFFFC000  }
0xa6: {  	[tilespmem:s16], [sflag:$0x2] =	stream.indirect.gather [hbm4b:s2+s14], $0x80, s10, s14, $0xb8;
	[tilespmem:$0x19C00] =	vst v63  }
0xa7: {  	_ =	swait.ge [sflag:s29], $0x4000  }
0xa8: {  	[sflag:s29] =	ssyncset.done $0x0  }
0xa9: {  	s11 =	sadd.s32 $0x40000, s7;
	[sflag:s29] =	ssyncadd.s32 $0xFFFFC000  }
0xaa: {  	[hbm4b:s11+s3] =	stream.linear.scatter [tilespmem:s21], [sflag:$0xB], $0x4000, $0x38;
	[tilespmem:$0x19C00] =	vst v63  }
0xab: {  	_ =	swait.ge [sflag:s30], $0x4000  }
0xac: {  	[sflag:s30] =	ssyncset.done $0x0  }
0xad: {  	s8 =	sadd.s32 $0x200, s6;
	[sflag:s30] =	ssyncadd.s32 $0xFFFFC000  }
0xae: {  	[tilespmem:s18], [sflag:$0x3] =	stream.indirect.gather [hbm4b:s2+s14], $0x80, s8, s14, $0xb8;
	[tilespmem:$0x19C00] =	vst v63  }
0xaf: {  	_ =	swait.ge [sflag:s31], $0x4000  }
0xb0: {  	[sflag:s31] =	ssyncset.done $0x0  }
0xb1: {  	s9 =	sadd.s32 $0x50000, s7;
	[sflag:s31] =	ssyncadd.s32 $0xFFFFC000  }
0xb2: {  	[hbm4b:s9+s3] =	stream.linear.scatter [tilespmem:s23], [sflag:$0xC], $0x4000, $0x38;
	[tilespmem:$0x19C00] =	vst v63  }
0xb3: {  	_ =	swait.ge [sflag:s1], $0x4000  }
0xb4: {  	[sflag:s1] =	ssyncset.done $0x0  }
0xb5: {  	s10 =	simm.s32 $0x1980;
	[sflag:s1] =	ssyncadd.s32 $0xFFFFC000  }
0xb6: {  	[tilespmem:s19], [sflag:$0x4] =	stream.indirect.gather [hbm4b:s2+s14], $0x80, s10, s14, $0xb8;
	[tilespmem:$0x19C00] =	vst v63  }
0xb7: {  	_ =	swait.ge [sflag:s20], $0x4000  }
0xb8: {  	[sflag:s20] =	ssyncset.done $0x0  }
0xb9: {  	s11 =	rddreg [dreg:$0x6];
	[sflag:s20] =	ssyncadd.s32 $0xFFFFC000  }
0xba: {  	[hbm4b:s11+s3] =	stream.linear.scatter [tilespmem:s15], [sflag:$0x7], $0x4000, $0x38;
	[tilespmem:$0x19C00] =	vst v63  }
0xbb: {  	_ =	swait.ge [sflag:s17], $0x4000  }
0xbc: {  	[sflag:s17] =	ssyncset.done $0x0  }
0xbd: {  	s7 =	simm.s32 $0x1A00;
	[sflag:s17] =	ssyncadd.s32 $0xFFFFC000  }
0xbe: {  	[tilespmem:s21], [sflag:$0x5] =	stream.indirect.gather [hbm4b:s2+s14], $0x80, s7, s14, $0xb8;
	[tilespmem:$0x19C00] =	vst v63  }
0xbf: {  	_ =	swait.ge [sflag:s22], $0x4000  }
0xc0: {  	[sflag:s22] =	ssyncset.done $0x0  }
0xc1: {  	s8 =	rddreg [dreg:$0x7];
	[sflag:s22] =	ssyncadd.s32 $0xFFFFC000  }
0xc2: {  	[hbm4b:s8+s3] =	stream.linear.scatter [tilespmem:s16], [sflag:$0x8], $0x4000, $0x38;
	[tilespmem:$0x19C00] =	vst v63  }
0xc3: {  	_ =	swait.ge [sflag:s24], $0x4000  }
0xc4: {  	[sflag:s24] =	ssyncset.done $0x0  }
0xc5: {  	s9 =	rddreg [dreg:$0x8];
	[sflag:s24] =	ssyncadd.s32 $0xFFFFC000  }
0xc6: {  	[hbm4b:s9+s3] =	stream.linear.scatter [tilespmem:s18], [sflag:$0x9], $0x4000, $0x38;
	[tilespmem:$0x19C00] =	vst v63  }
0xc7: {  	_ =	swait.ge [sflag:s26], $0x4000  }
0xc8: {  	[sflag:s26] =	ssyncset.done $0x0  }
0xc9: {  	s10 =	rddreg [dreg:$0x9];
	[sflag:s26] =	ssyncadd.s32 $0xFFFFC000  }
0xca: {  	[hbm4b:s10+s3] =	stream.linear.scatter [tilespmem:s19], [sflag:$0xA], $0x4000, $0x38;
	[tilespmem:$0x19C00] =	vst v63  }
0xcb: {  	_ =	swait.ge [sflag:s29], $0x4000  }
0xcc: {  	s6 =	simm.s32 @!p0 $0x0;
	[sflag:s29] =	ssyncset.done $0x0  }
0xcd: {  	s7 =	simm.s32 @!p0 $0x11C00;
	s8 =	rddreg [dreg:$0xa];
	[sflag:s29] =	ssyncadd.s32 $0xFFFFC000  }
0xce: {  	[hbm4b:s8+s6] =	stream.linear.scatter @!p0 [tilespmem:s7], [sflag:$0xB], $0x4000, $0x38;
	[tilespmem:$0x19C00] =	vst v63  }
0xcf: {  	_ =	swait.ge [sflag:s0], $0x4000  }
0xd0: {  	[sflag:s0] =	ssyncset.done $0x0  }
0xd1: {  	[sflag:s0] =	ssyncadd.s32 $0xFFFFC000  }
0xd2: {  	_ =	swait.ge [sflag:s25], $0x4000  }
0xd3: {  	[sflag:s25] =	ssyncset.done $0x0  }
0xd4: {  	[sflag:s25] =	ssyncadd.s32 $0xFFFFC000  }
0xd5: {  	_ =	swait.ge [sflag:s28], $0x4000  }
0xd6: {  	[sflag:s28] =	ssyncset.done $0x0  }
0xd7: {  	[sflag:s28] =	ssyncadd.s32 $0xFFFFC000  }
0xd8: {  	_ =	swait.ge [sflag:s30], $0x4000  }
0xd9: {  	[sflag:s30] =	ssyncset.done $0x0  }
0xda: {  	[sflag:s30] =	ssyncadd.s32 $0xFFFFC000  }
0xdb: {  	_ =	swait.ge [sflag:s1], $0x4000  }
0xdc: {  	[sflag:s1] =	ssyncset.done $0x0  }
0xdd: {  	s6 =	simm.s32 @!p0 $0xB;
	[sflag:s1] =	ssyncadd.s32 $0xFFFFC000  }
0xde: {  	_ =	swait.ge @!p0 [sflag:s6], $0x4000  }
0xdf: {  	s5 =	sadd.s32 $0x1, s5;
	s11 =	rddreg [dreg:$0xb]  }
0xe0: {  	p1 =	sne.s32 s5, s11  }
.Ltmp1:
0xe1: {  	_ = 	snop;
	(pc) =	sbr.rel @p1 .LBB2_1-.Ltmp1, $3  }
0xe2: {  	_ =	sdelay $0x1  }
0xe3: {  	[sflag:s6] =	ssyncset.done @!p0 $0x0  }
0xe4: {  	[sflag:s6] =	ssyncadd.s32 @!p0 $0xFFFFC000  }
0xe5: {  	_ =	sfence.sel $0x180000  }
0xe6: {  	[bflag:$0x0] =	sbarrier.arrive $0xFFFF  }
0xe7: {  	_ =	strace $0x90000047  }
0xe8: {  	s0 =	stileid.u32;
	[bflag:$0x2] =	sbarrier.arrive $0xFFFF  }
0xe9: {  	p0 =	sne.s32 s0, $0x0;
	s0 =	rddreg [dreg:$0x3]  }
0xea: {  	s0 =	sadd.s32 @!p0 $0x100000, s0  }
0xeb: {  	[sflag:s0] =	ssyncadd.tile.s32 @!p0 $0x1;
	_ =	shalt  }
.Lfunc_end2:
_tile_overlayer_lowered:
.L_overlay_start_2:
0xec: {  	(tag) =	ssettag $0x2  }
0xed: {  	s0 =	rddreg [dreg:$0x0];
	s2 =	stileid.u32  }
0xee: {  	s1 =	rddreg [dreg:$0x1];
	p0 =	sne.s32 s2, $0x0  }
0xef: {  	s3 =	rddreg [dreg:$0x2];
	[bflag:$0x3] =	sbarrier.arrive $0xFFFF;
	s2 =	simm.s32 @!p0 $0x1C0D  }
0xf0: {  	[timem:s3], [sflag:s2] =	dma.local @!p0 [hbm:s0], s1  }
0xf1: {  	s0 =	simm.s32 @!p0 $0xD  }
0xf2: {  	_ =	swait.ge @!p0 [sflag:s0], s1  }
0xf3: {  	s1 =	ssub.s32 @!p0 $0x0, s1;
	[sflag:s0] =	ssyncset.done @!p0 $0x0  }
0xf4: {  	[sflag:s0] =	ssyncadd.s32 @!p0 s1  }
0xf5: {  	[bflag:$0x3] =	sbarrier.arrive $0xFFFF  }
0xf6: {  	_ =	shalt  }

</sc_bundles>
